<compile_context>
chip_gen: v7x
topology: tpu7x:2x2x1
jax: 0.10.2.dev20260603
libtpu: 0.0.44.dev20260713+nightly
codegen_flags: <defaults>
</compile_context>

<pallas_src>
import functools

import jax
import jax.numpy as jnp
from jax import lax
from jax.experimental import pallas as pl
from jax.experimental.pallas import tpu as pltpu
from jax.experimental.pallas import tpu_sc as plsc

_G = 128
_K = 20


@functools.lru_cache(maxsize=None)
def _make_gather(num_groups, vocab, dim):
  info = plsc.get_sparse_core_info()
  nc, ns = info.num_cores, info.num_subcores
  nw = nc * ns
  groups_per_w = num_groups // nw
  outer = groups_per_w // _K
  assert groups_per_w % _K == 0

  mesh = plsc.VectorSubcoreMesh(core_axis_name="c", subcore_axis_name="s")

  @functools.partial(
      pl.kernel,
      mesh=mesh,
      out_type=jax.ShapeDtypeStruct((num_groups, _G, dim), jnp.float32),
      scratch_types=[
          pltpu.VMEM((_K, _G), jnp.int32),
          pltpu.VMEM((_K, _G, dim), jnp.float32),
          pltpu.SemaphoreType.DMA,
      ],
      compiler_params=pltpu.CompilerParams(use_tc_tiling_on_sc=False),
  )
  def gather_kernel(idx_hbm, table_hbm, out_hbm, idx_v, rows_v, sem):
    wid = lax.axis_index("s") * nc + lax.axis_index("c")
    tbase = wid * outer

    def step(o, carry):
      t = tbase + o
      pltpu.sync_copy(idx_hbm.at[t], idx_v)
      descs = []
      for j in range(_K):
        descs.append(
            pltpu.async_copy(table_hbm.at[idx_v.at[j]], rows_v.at[j], sem))
      for d in descs:
        d.wait()
      pltpu.sync_copy(rows_v, out_hbm.at[pl.ds(t * _K, _K)])
      return carry

    lax.fori_loop(0, outer, step, 0)

  return gather_kernel


def _mm_body(x_ref, w_ref, b_ref, o_ref):
  z = lax.dot_general(
      w_ref[...], x_ref[0],
      dimension_numbers=(((0,), (1,)), ((), ())),
      preferred_element_type=jnp.float32,
  )
  o_ref[...] = (z + b_ref[...])[None]


@functools.lru_cache(maxsize=None)
def _make_project(nl, nb, dim, dout, bblk):
  return pl.pallas_call(
      _mm_body,
      grid=(nl, nb // bblk),
      in_specs=[
          pl.BlockSpec((1, bblk, dim), lambda l, j: (l, j, 0)),
          pl.BlockSpec((dim, dout), lambda l, j: (0, 0)),
          pl.BlockSpec((dout, 1), lambda l, j: (0, 0)),
      ],
      out_specs=pl.BlockSpec((1, dout, bblk), lambda l, j: (l, 0, j)),
      out_shape=jax.ShapeDtypeStruct((nl, dout, nb), jnp.float32),
      compiler_params=pltpu.CompilerParams(vmem_limit_bytes=100 * 1024 * 1024),
  )


def kernel(inputs, table, W, b):
  B, L = inputs.shape
  vocab, dim = table.shape
  dout = W.shape[1]
  n = B * L
  idx3d = inputs.T.reshape(n // (_G * _K), _K, _G).astype(jnp.int32)
  gathered = _make_gather(n // _G, vocab, dim)(idx3d, table)
  x = gathered.reshape(L, B, dim)
  out_phys = _make_project(L, B, dim, dout, 16384)(x, W, b.reshape(dout, 1))
  return out_phys.transpose(2, 0, 1)

# --- scband reference (transcript-rebuilt; emitter-appended) ---
"""Pipeline reference for scband-my-model-87454124082024 (READ-ONLY COPY).

The authoritative reference and input builder live on the scoring server;
editing this copy changes nothing except your own understanding.
"""

import jax, jax.numpy as jnp
import numpy as np

VOCAB = 1000000
EMBED_DIM = 32
DENSE_OUT = 350
B, L = 16384, 50

def setup_inputs(seed: int = 0) -> dict:
    key = jax.random.key(seed)
    k1, k2, k3, k4 = jax.random.split(key, 4)
    indices = jax.random.randint(k1, (B, L), 0, VOCAB, dtype=jnp.int64) if jax.config.jax_enable_x64 else jax.random.randint(k1, (B, L), 0, VOCAB, dtype=jnp.int32)
    # GlorotNormal-like init for embedding table
    table = jax.random.normal(k2, (VOCAB, EMBED_DIM), dtype=jnp.float32) * jnp.sqrt(2.0 / (VOCAB + EMBED_DIM))
    W = jax.random.normal(k3, (EMBED_DIM, DENSE_OUT), dtype=jnp.float32) * jnp.sqrt(2.0 / (EMBED_DIM + DENSE_OUT))
    b = jnp.zeros((DENSE_OUT,), dtype=jnp.float32)
    return {"inputs": indices, "table": table, "W": W, "b": b}

def reference(inputs, table, W, b):
    # Embed: gather rows from embedding table
    x = jnp.take(table, inputs, axis=0)  # [B, L, EMBED_DIM]
    # Dense applied on last axis
    out = jnp.einsum('bld,do->blo', x, W) + b  # [B, L, DENSE_OUT]
    return out

if __name__ == "__main__":
    import jax
    _d = setup_inputs()
    print(jax.jit(kernel)(*tuple(_d.values())))

</pallas_src>

<mosaic_0001>
#map = affine_map<(d0, d1) -> (0, 0, 0)>
#map1 = affine_map<(d0, d1) -> (0, 0)>
module attributes {stable_mosaic.version = 14 : i64} {
  func.func @gather_kernel(%arg0: i32, %arg1: i32, %arg2: memref<320x20x128xi32, #tpu.memory_space<hbm>>, %arg3: memref<1000000x32xf32, #tpu.memory_space<hbm>>, %arg4: memref<6400x128x32xf32, #tpu.memory_space<hbm>>, %arg5: memref<20x128xi32, #tpu.memory_space<vmem>>, %arg6: memref<20x128x32xf32, #tpu.memory_space<vmem>>, %arg7: memref<!tpu.dma_semaphore, #tpu.memory_space<semaphore_mem>>) attributes {dimension_semantics = [#tpu.dimension_semantics<core_parallel>, #tpu.dimension_semantics<subcore_parallel>], iteration_bounds = array<i64: 2, 16>, scalar_prefetch = 0 : i64, scratch_operands = 3 : i64, tpu.core_type = #tpu.core_type<sc_vector_subcore>, window_params = [{transform_indices = #map}, {transform_indices = #map1}, {transform_indices = #map}]} {
    %mul3A = arith.constant 2 : i32
    %mul3A_0 = arith.muli %arg1, %mul3A : i32
    %add3A = arith.addi %mul3A_0, %arg0 : i32
    %mul3A_1 = arith.constant 10 : i32
    %mul3A_2 = arith.muli %add3A, %mul3A_1 : i32
    %scan3A = arith.constant 0 : i32
    %scan3A_3 = arith.constant 0 : i32
    %scan3A_4 = arith.constant 10 : i32
    %scan3A_5 = arith.addi %scan3A_3, %scan3A_4 : i32
    %scan3A_6 = arith.constant 1 : i32
    scf.for %scan3A_8 = %scan3A_3 to %scan3A_5 step %scan3A_6  : i32 {
      %add3A_9 = arith.addi %mul3A_2, %scan3A_8 : i32
      "tpu.region"() ({
        %run_scoped3A = tpu.sem_alloc : memref<!tpu.dma_semaphore, #tpu.memory_space<semaphore_mem>>
        %dma_start3A_490 = arith.constant 0 : i32
        %dma_start3A_491 = arith.constant 0 : i32
        %dma_start3A_492 = tpu.memref_slice %arg2[%add3A_9, %dma_start3A_490, %dma_start3A_491] : memref<320x20x128xi32, #tpu.memory_space<hbm>> -> memref<1x20x128xi32, #tpu.memory_space<hbm>>
        %dma_start3A_493 = tpu.memref_squeeze %dma_start3A_492 : memref<1x20x128xi32, #tpu.memory_space<hbm>> -> memref<20x128xi32, #tpu.memory_space<hbm>>
        %dma_start3A_494 = arith.constant 0 : i32
        %dma_start3A_495 = arith.constant 0 : i32
        %dma_start3A_496 = tpu.memref_slice %arg2[%add3A_9, %dma_start3A_494, %dma_start3A_495] : memref<320x20x128xi32, #tpu.memory_space<hbm>> -> memref<1x20x128xi32, #tpu.memory_space<hbm>>
        %dma_start3A_497 = tpu.memref_squeeze %dma_start3A_496 : memref<1x20x128xi32, #tpu.memory_space<hbm>> -> memref<20x128xi32, #tpu.memory_space<hbm>>
        tpu.enqueue_dma source(%dma_start3A_497 : memref<20x128xi32, #tpu.memory_space<hbm>>) target(%arg5 : memref<20x128xi32, #tpu.memory_space<vmem>>) target_semaphore(%run_scoped3A : memref<!tpu.dma_semaphore, #tpu.memory_space<semaphore_mem>>)
        %dma_wait3A_498 = arith.constant 0 : i32
        %dma_wait3A_499 = arith.constant 0 : i32
        %dma_wait3A_500 = tpu.memref_slice %arg2[%add3A_9, %dma_wait3A_498, %dma_wait3A_499] : memref<320x20x128xi32, #tpu.memory_space<hbm>> -> memref<1x20x128xi32, #tpu.memory_space<hbm>>
        %dma_wait3A_501 = tpu.memref_squeeze %dma_wait3A_500 : memref<1x20x128xi32, #tpu.memory_space<hbm>> -> memref<20x128xi32, #tpu.memory_space<hbm>>
        %dma_wait3A_502 = arith.constant 0 : i32
        %dma_wait3A_503 = arith.constant 0 : i32
        %dma_wait3A_504 = tpu.memref_slice %arg2[%add3A_9, %dma_wait3A_502, %dma_wait3A_503] : memref<320x20x128xi32, #tpu.memory_space<hbm>> -> memref<1x20x128xi32, #tpu.memory_space<hbm>>
        %dma_wait3A_505 = tpu.memref_squeeze %dma_wait3A_504 : memref<1x20x128xi32, #tpu.memory_space<hbm>> -> memref<20x128xi32, #tpu.memory_space<hbm>>
        tpu.wait_dma2 semaphore(%run_scoped3A : memref<!tpu.dma_semaphore, #tpu.memory_space<semaphore_mem>>) src(%dma_wait3A_505 : memref<20x128xi32, #tpu.memory_space<hbm>>) dst(%arg5 : memref<20x128xi32, #tpu.memory_space<vmem>>)
        tpu.yield
      }) : () -> ()
      %dma_start3A = arith.constant 0 : i32
      %dma_start3A_10 = arith.constant 0 : i32
      %dma_start3A_11 = arith.constant 0 : i32
      %dma_start3A_12 = arith.constant 0 : i32
      %dma_start3A_13 = tpu.memref_slice %arg6[%dma_start3A_10, %dma_start3A_11, %dma_start3A_12] : memref<20x128x32xf32, #tpu.memory_space<vmem>> -> memref<1x128x32xf32, #tpu.memory_space<vmem>>
      %dma_start3A_14 = tpu.memref_squeeze %dma_start3A_13 : memref<1x128x32xf32, #tpu.memory_space<vmem>> -> memref<128x32xf32, #tpu.memory_space<vmem>>
      %dma_start3A_15 = arith.constant 0 : i32
      %dma_start3A_16 = tpu.memref_slice %arg5[%dma_start3A, %dma_start3A_15] : memref<20x128xi32, #tpu.memory_space<vmem>> -> memref<1x128xi32, #tpu.memory_space<vmem>>
      %dma_start3A_17 = tpu.memref_squeeze %dma_start3A_16 : memref<1x128xi32, #tpu.memory_space<vmem>> -> memref<128xi32, #tpu.memory_space<vmem>>
      %dma_start3A_18 = arith.constant 0 : i32
      %dma_start3A_19 = arith.constant 0 : i32
      %dma_start3A_20 = tpu.memref_slice %arg3[%dma_start3A_18, %dma_start3A_19] : memref<1000000x32xf32, #tpu.memory_space<hbm>> -> memref<1000000x32xf32, #tpu.memory_space<hbm>>
      tpu.enqueue_indirect_dma source(%dma_start3A_20 : memref<1000000x32xf32, #tpu.memory_space<hbm>>) target(%dma_start3A_14 : memref<128x32xf32, #tpu.memory_space<vmem>>) offsets(%dma_start3A_17 : memref<128xi32, #tpu.memory_space<vmem>>) semaphore(%arg7 : memref<!tpu.dma_semaphore, #tpu.memory_space<semaphore_mem>>)
      %dma_start3A_21 = arith.constant 1 : i32
      %dma_start3A_22 = arith.constant 1 : i32
      %dma_start3A_23 = arith.constant 0 : i32
      %dma_start3A_24 = arith.constant 0 : i32
      %dma_start3A_25 = tpu.memref_slice %arg6[%dma_start3A_22, %dma_start3A_23, %dma_start3A_24] : memref<20x128x32xf32, #tpu.memory_space<vmem>> -> memref<1x128x32xf32, #tpu.memory_space<vmem>>
      %dma_start3A_26 = tpu.memref_squeeze %dma_start3A_25 : memref<1x128x32xf32, #tpu.memory_space<vmem>> -> memref<128x32xf32, #tpu.memory_space<vmem>>
      %dma_start3A_27 = arith.constant 0 : i32
      %dma_start3A_28 = tpu.memref_slice %arg5[%dma_start3A_21, %dma_start3A_27] : memref<20x128xi32, #tpu.memory_space<vmem>> -> memref<1x128xi32, #tpu.memory_space<vmem>>
      %dma_start3A_29 = tpu.memref_squeeze %dma_start3A_28 : memref<1x128xi32, #tpu.memory_space<vmem>> -> memref<128xi32, #tpu.memory_space<vmem>>
      %dma_start3A_30 = arith.constant 0 : i32
      %dma_start3A_31 = arith.constant 0 : i32
      %dma_start3A_32 = tpu.memref_slice %arg3[%dma_start3A_30, %dma_start3A_31] : memref<1000000x32xf32, #tpu.memory_space<hbm>> -> memref<1000000x32xf32, #tpu.memory_space<hbm>>
      tpu.enqueue_indirect_dma source(%dma_start3A_32 : memref<1000000x32xf32, #tpu.memory_space<hbm>>) target(%dma_start3A_26 : memref<128x32xf32, #tpu.memory_space<vmem>>) offsets(%dma_start3A_29 : memref<128xi32, #tpu.memory_space<vmem>>) semaphore(%arg7 : memref<!tpu.dma_semaphore, #tpu.memory_space<semaphore_mem>>)
      %dma_start3A_33 = arith.constant 2 : i32
      %dma_start3A_34 = arith.constant 2 : i32
      %dma_start3A_35 = arith.constant 0 : i32
      %dma_start3A_36 = arith.constant 0 : i32
      %dma_start3A_37 = tpu.memref_slice %arg6[%dma_start3A_34, %dma_start3A_35, %dma_start3A_36] : memref<20x128x32xf32, #tpu.memory_space<vmem>> -> memref<1x128x32xf32, #tpu.memory_space<vmem>>
      %dma_start3A_38 = tpu.memref_squeeze %dma_start3A_37 : memref<1x128x32xf32, #tpu.memory_space<vmem>> -> memref<128x32xf32, #tpu.memory_space<vmem>>
      %dma_start3A_39 = arith.constant 0 : i32
      %dma_start3A_40 = tpu.memref_slice %arg5[%dma_start3A_33, %dma_start3A_39] : memref<20x128xi32, #tpu.memory_space<vmem>> -> memref<1x128xi32, #tpu.memory_space<vmem>>
      %dma_start3A_41 = tpu.memref_squeeze %dma_start3A_40 : memref<1x128xi32, #tpu.memory_space<vmem>> -> memref<128xi32, #tpu.memory_space<vmem>>
      %dma_start3A_42 = arith.constant 0 : i32
      %dma_start3A_43 = arith.constant 0 : i32
      %dma_start3A_44 = tpu.memref_slice %arg3[%dma_start3A_42, %dma_start3A_43] : memref<1000000x32xf32, #tpu.memory_space<hbm>> -> memref<1000000x32xf32, #tpu.memory_space<hbm>>
      tpu.enqueue_indirect_dma source(%dma_start3A_44 : memref<1000000x32xf32, #tpu.memory_space<hbm>>) target(%dma_start3A_38 : memref<128x32xf32, #tpu.memory_space<vmem>>) offsets(%dma_start3A_41 : memref<128xi32, #tpu.memory_space<vmem>>) semaphore(%arg7 : memref<!tpu.dma_semaphore, #tpu.memory_space<semaphore_mem>>)
      %dma_start3A_45 = arith.constant 3 : i32
      %dma_start3A_46 = arith.constant 3 : i32
      %dma_start3A_47 = arith.constant 0 : i32
      %dma_start3A_48 = arith.constant 0 : i32
      %dma_start3A_49 = tpu.memref_slice %arg6[%dma_start3A_46, %dma_start3A_47, %dma_start3A_48] : memref<20x128x32xf32, #tpu.memory_space<vmem>> -> memref<1x128x32xf32, #tpu.memory_space<vmem>>
      %dma_start3A_50 = tpu.memref_squeeze %dma_start3A_49 : memref<1x128x32xf32, #tpu.memory_space<vmem>> -> memref<128x32xf32, #tpu.memory_space<vmem>>
      %dma_start3A_51 = arith.constant 0 : i32
      %dma_start3A_52 = tpu.memref_slice %arg5[%dma_start3A_45, %dma_start3A_51] : memref<20x128xi32, #tpu.memory_space<vmem>> -> memref<1x128xi32, #tpu.memory_space<vmem>>
      %dma_start3A_53 = tpu.memref_squeeze %dma_start3A_52 : memref<1x128xi32, #tpu.memory_space<vmem>> -> memref<128xi32, #tpu.memory_space<vmem>>
      %dma_start3A_54 = arith.constant 0 : i32
      %dma_start3A_55 = arith.constant 0 : i32
      %dma_start3A_56 = tpu.memref_slice %arg3[%dma_start3A_54, %dma_start3A_55] : memref<1000000x32xf32, #tpu.memory_space<hbm>> -> memref<1000000x32xf32, #tpu.memory_space<hbm>>
      tpu.enqueue_indirect_dma source(%dma_start3A_56 : memref<1000000x32xf32, #tpu.memory_space<hbm>>) target(%dma_start3A_50 : memref<128x32xf32, #tpu.memory_space<vmem>>) offsets(%dma_start3A_53 : memref<128xi32, #tpu.memory_space<vmem>>) semaphore(%arg7 : memref<!tpu.dma_semaphore, #tpu.memory_space<semaphore_mem>>)
      %dma_start3A_57 = arith.constant 4 : i32
      %dma_start3A_58 = arith.constant 4 : i32
      %dma_start3A_59 = arith.constant 0 : i32
      %dma_start3A_60 = arith.constant 0 : i32
      %dma_start3A_61 = tpu.memref_slice %arg6[%dma_start3A_58, %dma_start3A_59, %dma_start3A_60] : memref<20x128x32xf32, #tpu.memory_space<vmem>> -> memref<1x128x32xf32, #tpu.memory_space<vmem>>
      %dma_start3A_62 = tpu.memref_squeeze %dma_start3A_61 : memref<1x128x32xf32, #tpu.memory_space<vmem>> -> memref<128x32xf32, #tpu.memory_space<vmem>>
      %dma_start3A_63 = arith.constant 0 : i32
      %dma_start3A_64 = tpu.memref_slice %arg5[%dma_start3A_57, %dma_start3A_63] : memref<20x128xi32, #tpu.memory_space<vmem>> -> memref<1x128xi32, #tpu.memory_space<vmem>>
      %dma_start3A_65 = tpu.memref_squeeze %dma_start3A_64 : memref<1x128xi32, #tpu.memory_space<vmem>> -> memref<128xi32, #tpu.memory_space<vmem>>
      %dma_start3A_66 = arith.constant 0 : i32
      %dma_start3A_67 = arith.constant 0 : i32
      %dma_start3A_68 = tpu.memref_slice %arg3[%dma_start3A_66, %dma_start3A_67] : memref<1000000x32xf32, #tpu.memory_space<hbm>> -> memref<1000000x32xf32, #tpu.memory_space<hbm>>
      tpu.enqueue_indirect_dma source(%dma_start3A_68 : memref<1000000x32xf32, #tpu.memory_space<hbm>>) target(%dma_start3A_62 : memref<128x32xf32, #tpu.memory_space<vmem>>) offsets(%dma_start3A_65 : memref<128xi32, #tpu.memory_space<vmem>>) semaphore(%arg7 : memref<!tpu.dma_semaphore, #tpu.memory_space<semaphore_mem>>)
      %dma_start3A_69 = arith.constant 5 : i32
      %dma_start3A_70 = arith.constant 5 : i32
      %dma_start3A_71 = arith.constant 0 : i32
      %dma_start3A_72 = arith.constant 0 : i32
      %dma_start3A_73 = tpu.memref_slice %arg6[%dma_start3A_70, %dma_start3A_71, %dma_start3A_72] : memref<20x128x32xf32, #tpu.memory_space<vmem>> -> memref<1x128x32xf32, #tpu.memory_space<vmem>>
      %dma_start3A_74 = tpu.memref_squeeze %dma_start3A_73 : memref<1x128x32xf32, #tpu.memory_space<vmem>> -> memref<128x32xf32, #tpu.memory_space<vmem>>
      %dma_start3A_75 = arith.constant 0 : i32
      %dma_start3A_76 = tpu.memref_slice %arg5[%dma_start3A_69, %dma_start3A_75] : memref<20x128xi32, #tpu.memory_space<vmem>> -> memref<1x128xi32, #tpu.memory_space<vmem>>
      %dma_start3A_77 = tpu.memref_squeeze %dma_start3A_76 : memref<1x128xi32, #tpu.memory_space<vmem>> -> memref<128xi32, #tpu.memory_space<vmem>>
      %dma_start3A_78 = arith.constant 0 : i32
      %dma_start3A_79 = arith.constant 0 : i32
      %dma_start3A_80 = tpu.memref_slice %arg3[%dma_start3A_78, %dma_start3A_79] : memref<1000000x32xf32, #tpu.memory_space<hbm>> -> memref<1000000x32xf32, #tpu.memory_space<hbm>>
      tpu.enqueue_indirect_dma source(%dma_start3A_80 : memref<1000000x32xf32, #tpu.memory_space<hbm>>) target(%dma_start3A_74 : memref<128x32xf32, #tpu.memory_space<vmem>>) offsets(%dma_start3A_77 : memref<128xi32, #tpu.memory_space<vmem>>) semaphore(%arg7 : memref<!tpu.dma_semaphore, #tpu.memory_space<semaphore_mem>>)
      %dma_start3A_81 = arith.constant 6 : i32
      %dma_start3A_82 = arith.constant 6 : i32
      %dma_start3A_83 = arith.constant 0 : i32
      %dma_start3A_84 = arith.constant 0 : i32
      %dma_start3A_85 = tpu.memref_slice %arg6[%dma_start3A_82, %dma_start3A_83, %dma_start3A_84] : memref<20x128x32xf32, #tpu.memory_space<vmem>> -> memref<1x128x32xf32, #tpu.memory_space<vmem>>
      %dma_start3A_86 = tpu.memref_squeeze %dma_start3A_85 : memref<1x128x32xf32, #tpu.memory_space<vmem>> -> memref<128x32xf32, #tpu.memory_space<vmem>>
      %dma_start3A_87 = arith.constant 0 : i32
      %dma_start3A_88 = tpu.memref_slice %arg5[%dma_start3A_81, %dma_start3A_87] : memref<20x128xi32, #tpu.memory_space<vmem>> -> memref<1x128xi32, #tpu.memory_space<vmem>>
      %dma_start3A_89 = tpu.memref_squeeze %dma_start3A_88 : memref<1x128xi32, #tpu.memory_space<vmem>> -> memref<128xi32, #tpu.memory_space<vmem>>
      %dma_start3A_90 = arith.constant 0 : i32
      %dma_start3A_91 = arith.constant 0 : i32
      %dma_start3A_92 = tpu.memref_slice %arg3[%dma_start3A_90, %dma_start3A_91] : memref<1000000x32xf32, #tpu.memory_space<hbm>> -> memref<1000000x32xf32, #tpu.memory_space<hbm>>
      tpu.enqueue_indirect_dma source(%dma_start3A_92 : memref<1000000x32xf32, #tpu.memory_space<hbm>>) target(%dma_start3A_86 : memref<128x32xf32, #tpu.memory_space<vmem>>) offsets(%dma_start3A_89 : memref<128xi32, #tpu.memory_space<vmem>>) semaphore(%arg7 : memref<!tpu.dma_semaphore, #tpu.memory_space<semaphore_mem>>)
      %dma_start3A_93 = arith.constant 7 : i32
      %dma_start3A_94 = arith.constant 7 : i32
      %dma_start3A_95 = arith.constant 0 : i32
      %dma_start3A_96 = arith.constant 0 : i32
      %dma_start3A_97 = tpu.memref_slice %arg6[%dma_start3A_94, %dma_start3A_95, %dma_start3A_96] : memref<20x128x32xf32, #tpu.memory_space<vmem>> -> memref<1x128x32xf32, #tpu.memory_space<vmem>>
      %dma_start3A_98 = tpu.memref_squeeze %dma_start3A_97 : memref<1x128x32xf32, #tpu.memory_space<vmem>> -> memref<128x32xf32, #tpu.memory_space<vmem>>
      %dma_start3A_99 = arith.constant 0 : i32
      %dma_start3A_100 = tpu.memref_slice %arg5[%dma_start3A_93, %dma_start3A_99] : memref<20x128xi32, #tpu.memory_space<vmem>> -> memref<1x128xi32, #tpu.memory_space<vmem>>
      %dma_start3A_101 = tpu.memref_squeeze %dma_start3A_100 : memref<1x128xi32, #tpu.memory_space<vmem>> -> memref<128xi32, #tpu.memory_space<vmem>>
      %dma_start3A_102 = arith.constant 0 : i32
      %dma_start3A_103 = arith.constant 0 : i32
      %dma_start3A_104 = tpu.memref_slice %arg3[%dma_start3A_102, %dma_start3A_103] : memref<1000000x32xf32, #tpu.memory_space<hbm>> -> memref<1000000x32xf32, #tpu.memory_space<hbm>>
      tpu.enqueue_indirect_dma source(%dma_start3A_104 : memref<1000000x32xf32, #tpu.memory_space<hbm>>) target(%dma_start3A_98 : memref<128x32xf32, #tpu.memory_space<vmem>>) offsets(%dma_start3A_101 : memref<128xi32, #tpu.memory_space<vmem>>) semaphore(%arg7 : memref<!tpu.dma_semaphore, #tpu.memory_space<semaphore_mem>>)
      %dma_start3A_105 = arith.constant 8 : i32
      %dma_start3A_106 = arith.constant 8 : i32
      %dma_start3A_107 = arith.constant 0 : i32
      %dma_start3A_108 = arith.constant 0 : i32
      %dma_start3A_109 = tpu.memref_slice %arg6[%dma_start3A_106, %dma_start3A_107, %dma_start3A_108] : memref<20x128x32xf32, #tpu.memory_space<vmem>> -> memref<1x128x32xf32, #tpu.memory_space<vmem>>
      %dma_start3A_110 = tpu.memref_squeeze %dma_start3A_109 : memref<1x128x32xf32, #tpu.memory_space<vmem>> -> memref<128x32xf32, #tpu.memory_space<vmem>>
      %dma_start3A_111 = arith.constant 0 : i32
      %dma_start3A_112 = tpu.memref_slice %arg5[%dma_start3A_105, %dma_start3A_111] : memref<20x128xi32, #tpu.memory_space<vmem>> -> memref<1x128xi32, #tpu.memory_space<vmem>>
      %dma_start3A_113 = tpu.memref_squeeze %dma_start3A_112 : memref<1x128xi32, #tpu.memory_space<vmem>> -> memref<128xi32, #tpu.memory_space<vmem>>
      %dma_start3A_114 = arith.constant 0 : i32
      %dma_start3A_115 = arith.constant 0 : i32
      %dma_start3A_116 = tpu.memref_slice %arg3[%dma_start3A_114, %dma_start3A_115] : memref<1000000x32xf32, #tpu.memory_space<hbm>> -> memref<1000000x32xf32, #tpu.memory_space<hbm>>
      tpu.enqueue_indirect_dma source(%dma_start3A_116 : memref<1000000x32xf32, #tpu.memory_space<hbm>>) target(%dma_start3A_110 : memref<128x32xf32, #tpu.memory_space<vmem>>) offsets(%dma_start3A_113 : memref<128xi32, #tpu.memory_space<vmem>>) semaphore(%arg7 : memref<!tpu.dma_semaphore, #tpu.memory_space<semaphore_mem>>)
      %dma_start3A_117 = arith.constant 9 : i32
      %dma_start3A_118 = arith.constant 9 : i32
      %dma_start3A_119 = arith.constant 0 : i32
      %dma_start3A_120 = arith.constant 0 : i32
      %dma_start3A_121 = tpu.memref_slice %arg6[%dma_start3A_118, %dma_start3A_119, %dma_start3A_120] : memref<20x128x32xf32, #tpu.memory_space<vmem>> -> memref<1x128x32xf32, #tpu.memory_space<vmem>>
      %dma_start3A_122 = tpu.memref_squeeze %dma_start3A_121 : memref<1x128x32xf32, #tpu.memory_space<vmem>> -> memref<128x32xf32, #tpu.memory_space<vmem>>
      %dma_start3A_123 = arith.constant 0 : i32
      %dma_start3A_124 = tpu.memref_slice %arg5[%dma_start3A_117, %dma_start3A_123] : memref<20x128xi32, #tpu.memory_space<vmem>> -> memref<1x128xi32, #tpu.memory_space<vmem>>
      %dma_start3A_125 = tpu.memref_squeeze %dma_start3A_124 : memref<1x128xi32, #tpu.memory_space<vmem>> -> memref<128xi32, #tpu.memory_space<vmem>>
      %dma_start3A_126 = arith.constant 0 : i32
      %dma_start3A_127 = arith.constant 0 : i32
      %dma_start3A_128 = tpu.memref_slice %arg3[%dma_start3A_126, %dma_start3A_127] : memref<1000000x32xf32, #tpu.memory_space<hbm>> -> memref<1000000x32xf32, #tpu.memory_space<hbm>>
      tpu.enqueue_indirect_dma source(%dma_start3A_128 : memref<1000000x32xf32, #tpu.memory_space<hbm>>) target(%dma_start3A_122 : memref<128x32xf32, #tpu.memory_space<vmem>>) offsets(%dma_start3A_125 : memref<128xi32, #tpu.memory_space<vmem>>) semaphore(%arg7 : memref<!tpu.dma_semaphore, #tpu.memory_space<semaphore_mem>>)
      %dma_start3A_129 = arith.constant 10 : i32
      %dma_start3A_130 = arith.constant 10 : i32
      %dma_start3A_131 = arith.constant 0 : i32
      %dma_start3A_132 = arith.constant 0 : i32
      %dma_start3A_133 = tpu.memref_slice %arg6[%dma_start3A_130, %dma_start3A_131, %dma_start3A_132] : memref<20x128x32xf32, #tpu.memory_space<vmem>> -> memref<1x128x32xf32, #tpu.memory_space<vmem>>
      %dma_start3A_134 = tpu.memref_squeeze %dma_start3A_133 : memref<1x128x32xf32, #tpu.memory_space<vmem>> -> memref<128x32xf32, #tpu.memory_space<vmem>>
      %dma_start3A_135 = arith.constant 0 : i32
      %dma_start3A_136 = tpu.memref_slice %arg5[%dma_start3A_129, %dma_start3A_135] : memref<20x128xi32, #tpu.memory_space<vmem>> -> memref<1x128xi32, #tpu.memory_space<vmem>>
      %dma_start3A_137 = tpu.memref_squeeze %dma_start3A_136 : memref<1x128xi32, #tpu.memory_space<vmem>> -> memref<128xi32, #tpu.memory_space<vmem>>
      %dma_start3A_138 = arith.constant 0 : i32
      %dma_start3A_139 = arith.constant 0 : i32
      %dma_start3A_140 = tpu.memref_slice %arg3[%dma_start3A_138, %dma_start3A_139] : memref<1000000x32xf32, #tpu.memory_space<hbm>> -> memref<1000000x32xf32, #tpu.memory_space<hbm>>
      tpu.enqueue_indirect_dma source(%dma_start3A_140 : memref<1000000x32xf32, #tpu.memory_space<hbm>>) target(%dma_start3A_134 : memref<128x32xf32, #tpu.memory_space<vmem>>) offsets(%dma_start3A_137 : memref<128xi32, #tpu.memory_space<vmem>>) semaphore(%arg7 : memref<!tpu.dma_semaphore, #tpu.memory_space<semaphore_mem>>)
      %dma_start3A_141 = arith.constant 11 : i32
      %dma_start3A_142 = arith.constant 11 : i32
      %dma_start3A_143 = arith.constant 0 : i32
      %dma_start3A_144 = arith.constant 0 : i32
      %dma_start3A_145 = tpu.memref_slice %arg6[%dma_start3A_142, %dma_start3A_143, %dma_start3A_144] : memref<20x128x32xf32, #tpu.memory_space<vmem>> -> memref<1x128x32xf32, #tpu.memory_space<vmem>>
      %dma_start3A_146 = tpu.memref_squeeze %dma_start3A_145 : memref<1x128x32xf32, #tpu.memory_space<vmem>> -> memref<128x32xf32, #tpu.memory_space<vmem>>
      %dma_start3A_147 = arith.constant 0 : i32
      %dma_start3A_148 = tpu.memref_slice %arg5[%dma_start3A_141, %dma_start3A_147] : memref<20x128xi32, #tpu.memory_space<vmem>> -> memref<1x128xi32, #tpu.memory_space<vmem>>
      %dma_start3A_149 = tpu.memref_squeeze %dma_start3A_148 : memref<1x128xi32, #tpu.memory_space<vmem>> -> memref<128xi32, #tpu.memory_space<vmem>>
      %dma_start3A_150 = arith.constant 0 : i32
      %dma_start3A_151 = arith.constant 0 : i32
      %dma_start3A_152 = tpu.memref_slice %arg3[%dma_start3A_150, %dma_start3A_151] : memref<1000000x32xf32, #tpu.memory_space<hbm>> -> memref<1000000x32xf32, #tpu.memory_space<hbm>>
      tpu.enqueue_indirect_dma source(%dma_start3A_152 : memref<1000000x32xf32, #tpu.memory_space<hbm>>) target(%dma_start3A_146 : memref<128x32xf32, #tpu.memory_space<vmem>>) offsets(%dma_start3A_149 : memref<128xi32, #tpu.memory_space<vmem>>) semaphore(%arg7 : memref<!tpu.dma_semaphore, #tpu.memory_space<semaphore_mem>>)
      %dma_start3A_153 = arith.constant 12 : i32
      %dma_start3A_154 = arith.constant 12 : i32
      %dma_start3A_155 = arith.constant 0 : i32
      %dma_start3A_156 = arith.constant 0 : i32
      %dma_start3A_157 = tpu.memref_slice %arg6[%dma_start3A_154, %dma_start3A_155, %dma_start3A_156] : memref<20x128x32xf32, #tpu.memory_space<vmem>> -> memref<1x128x32xf32, #tpu.memory_space<vmem>>
      %dma_start3A_158 = tpu.memref_squeeze %dma_start3A_157 : memref<1x128x32xf32, #tpu.memory_space<vmem>> -> memref<128x32xf32, #tpu.memory_space<vmem>>
      %dma_start3A_159 = arith.constant 0 : i32
      %dma_start3A_160 = tpu.memref_slice %arg5[%dma_start3A_153, %dma_start3A_159] : memref<20x128xi32, #tpu.memory_space<vmem>> -> memref<1x128xi32, #tpu.memory_space<vmem>>
      %dma_start3A_161 = tpu.memref_squeeze %dma_start3A_160 : memref<1x128xi32, #tpu.memory_space<vmem>> -> memref<128xi32, #tpu.memory_space<vmem>>
      %dma_start3A_162 = arith.constant 0 : i32
      %dma_start3A_163 = arith.constant 0 : i32
      %dma_start3A_164 = tpu.memref_slice %arg3[%dma_start3A_162, %dma_start3A_163] : memref<1000000x32xf32, #tpu.memory_space<hbm>> -> memref<1000000x32xf32, #tpu.memory_space<hbm>>
      tpu.enqueue_indirect_dma source(%dma_start3A_164 : memref<1000000x32xf32, #tpu.memory_space<hbm>>) target(%dma_start3A_158 : memref<128x32xf32, #tpu.memory_space<vmem>>) offsets(%dma_start3A_161 : memref<128xi32, #tpu.memory_space<vmem>>) semaphore(%arg7 : memref<!tpu.dma_semaphore, #tpu.memory_space<semaphore_mem>>)
      %dma_start3A_165 = arith.constant 13 : i32
      %dma_start3A_166 = arith.constant 13 : i32
      %dma_start3A_167 = arith.constant 0 : i32
      %dma_start3A_168 = arith.constant 0 : i32
      %dma_start3A_169 = tpu.memref_slice %arg6[%dma_start3A_166, %dma_start3A_167, %dma_start3A_168] : memref<20x128x32xf32, #tpu.memory_space<vmem>> -> memref<1x128x32xf32, #tpu.memory_space<vmem>>
      %dma_start3A_170 = tpu.memref_squeeze %dma_start3A_169 : memref<1x128x32xf32, #tpu.memory_space<vmem>> -> memref<128x32xf32, #tpu.memory_space<vmem>>
      %dma_start3A_171 = arith.constant 0 : i32
      %dma_start3A_172 = tpu.memref_slice %arg5[%dma_start3A_165, %dma_start3A_171] : memref<20x128xi32, #tpu.memory_space<vmem>> -> memref<1x128xi32, #tpu.memory_space<vmem>>
      %dma_start3A_173 = tpu.memref_squeeze %dma_start3A_172 : memref<1x128xi32, #tpu.memory_space<vmem>> -> memref<128xi32, #tpu.memory_space<vmem>>
      %dma_start3A_174 = arith.constant 0 : i32
      %dma_start3A_175 = arith.constant 0 : i32
      %dma_start3A_176 = tpu.memref_slice %arg3[%dma_start3A_174, %dma_start3A_175] : memref<1000000x32xf32, #tpu.memory_space<hbm>> -> memref<1000000x32xf32, #tpu.memory_space<hbm>>
      tpu.enqueue_indirect_dma source(%dma_start3A_176 : memref<1000000x32xf32, #tpu.memory_space<hbm>>) target(%dma_start3A_170 : memref<128x32xf32, #tpu.memory_space<vmem>>) offsets(%dma_start3A_173 : memref<128xi32, #tpu.memory_space<vmem>>) semaphore(%arg7 : memref<!tpu.dma_semaphore, #tpu.memory_space<semaphore_mem>>)
      %dma_start3A_177 = arith.constant 14 : i32
      %dma_start3A_178 = arith.constant 14 : i32
      %dma_start3A_179 = arith.constant 0 : i32
      %dma_start3A_180 = arith.constant 0 : i32
      %dma_start3A_181 = tpu.memref_slice %arg6[%dma_start3A_178, %dma_start3A_179, %dma_start3A_180] : memref<20x128x32xf32, #tpu.memory_space<vmem>> -> memref<1x128x32xf32, #tpu.memory_space<vmem>>
      %dma_start3A_182 = tpu.memref_squeeze %dma_start3A_181 : memref<1x128x32xf32, #tpu.memory_space<vmem>> -> memref<128x32xf32, #tpu.memory_space<vmem>>
      %dma_start3A_183 = arith.constant 0 : i32
      %dma_start3A_184 = tpu.memref_slice %arg5[%dma_start3A_177, %dma_start3A_183] : memref<20x128xi32, #tpu.memory_space<vmem>> -> memref<1x128xi32, #tpu.memory_space<vmem>>
      %dma_start3A_185 = tpu.memref_squeeze %dma_start3A_184 : memref<1x128xi32, #tpu.memory_space<vmem>> -> memref<128xi32, #tpu.memory_space<vmem>>
      %dma_start3A_186 = arith.constant 0 : i32
      %dma_start3A_187 = arith.constant 0 : i32
      %dma_start3A_188 = tpu.memref_slice %arg3[%dma_start3A_186, %dma_start3A_187] : memref<1000000x32xf32, #tpu.memory_space<hbm>> -> memref<1000000x32xf32, #tpu.memory_space<hbm>>
      tpu.enqueue_indirect_dma source(%dma_start3A_188 : memref<1000000x32xf32, #tpu.memory_space<hbm>>) target(%dma_start3A_182 : memref<128x32xf32, #tpu.memory_space<vmem>>) offsets(%dma_start3A_185 : memref<128xi32, #tpu.memory_space<vmem>>) semaphore(%arg7 : memref<!tpu.dma_semaphore, #tpu.memory_space<semaphore_mem>>)
      %dma_start3A_189 = arith.constant 15 : i32
      %dma_start3A_190 = arith.constant 15 : i32
      %dma_start3A_191 = arith.constant 0 : i32
      %dma_start3A_192 = arith.constant 0 : i32
      %dma_start3A_193 = tpu.memref_slice %arg6[%dma_start3A_190, %dma_start3A_191, %dma_start3A_192] : memref<20x128x32xf32, #tpu.memory_space<vmem>> -> memref<1x128x32xf32, #tpu.memory_space<vmem>>
      %dma_start3A_194 = tpu.memref_squeeze %dma_start3A_193 : memref<1x128x32xf32, #tpu.memory_space<vmem>> -> memref<128x32xf32, #tpu.memory_space<vmem>>
      %dma_start3A_195 = arith.constant 0 : i32
      %dma_start3A_196 = tpu.memref_slice %arg5[%dma_start3A_189, %dma_start3A_195] : memref<20x128xi32, #tpu.memory_space<vmem>> -> memref<1x128xi32, #tpu.memory_space<vmem>>
      %dma_start3A_197 = tpu.memref_squeeze %dma_start3A_196 : memref<1x128xi32, #tpu.memory_space<vmem>> -> memref<128xi32, #tpu.memory_space<vmem>>
      %dma_start3A_198 = arith.constant 0 : i32
      %dma_start3A_199 = arith.constant 0 : i32
      %dma_start3A_200 = tpu.memref_slice %arg3[%dma_start3A_198, %dma_start3A_199] : memref<1000000x32xf32, #tpu.memory_space<hbm>> -> memref<1000000x32xf32, #tpu.memory_space<hbm>>
      tpu.enqueue_indirect_dma source(%dma_start3A_200 : memref<1000000x32xf32, #tpu.memory_space<hbm>>) target(%dma_start3A_194 : memref<128x32xf32, #tpu.memory_space<vmem>>) offsets(%dma_start3A_197 : memref<128xi32, #tpu.memory_space<vmem>>) semaphore(%arg7 : memref<!tpu.dma_semaphore, #tpu.memory_space<semaphore_mem>>)
      %dma_start3A_201 = arith.constant 16 : i32
      %dma_start3A_202 = arith.constant 16 : i32
      %dma_start3A_203 = arith.constant 0 : i32
      %dma_start3A_204 = arith.constant 0 : i32
      %dma_start3A_205 = tpu.memref_slice %arg6[%dma_start3A_202, %dma_start3A_203, %dma_start3A_204] : memref<20x128x32xf32, #tpu.memory_space<vmem>> -> memref<1x128x32xf32, #tpu.memory_space<vmem>>
      %dma_start3A_206 = tpu.memref_squeeze %dma_start3A_205 : memref<1x128x32xf32, #tpu.memory_space<vmem>> -> memref<128x32xf32, #tpu.memory_space<vmem>>
      %dma_start3A_207 = arith.constant 0 : i32
      %dma_start3A_208 = tpu.memref_slice %arg5[%dma_start3A_201, %dma_start3A_207] : memref<20x128xi32, #tpu.memory_space<vmem>> -> memref<1x128xi32, #tpu.memory_space<vmem>>
      %dma_start3A_209 = tpu.memref_squeeze %dma_start3A_208 : memref<1x128xi32, #tpu.memory_space<vmem>> -> memref<128xi32, #tpu.memory_space<vmem>>
      %dma_start3A_210 = arith.constant 0 : i32
      %dma_start3A_211 = arith.constant 0 : i32
      %dma_start3A_212 = tpu.memref_slice %arg3[%dma_start3A_210, %dma_start3A_211] : memref<1000000x32xf32, #tpu.memory_space<hbm>> -> memref<1000000x32xf32, #tpu.memory_space<hbm>>
      tpu.enqueue_indirect_dma source(%dma_start3A_212 : memref<1000000x32xf32, #tpu.memory_space<hbm>>) target(%dma_start3A_206 : memref<128x32xf32, #tpu.memory_space<vmem>>) offsets(%dma_start3A_209 : memref<128xi32, #tpu.memory_space<vmem>>) semaphore(%arg7 : memref<!tpu.dma_semaphore, #tpu.memory_space<semaphore_mem>>)
      %dma_start3A_213 = arith.constant 17 : i32
      %dma_start3A_214 = arith.constant 17 : i32
      %dma_start3A_215 = arith.constant 0 : i32
      %dma_start3A_216 = arith.constant 0 : i32
      %dma_start3A_217 = tpu.memref_slice %arg6[%dma_start3A_214, %dma_start3A_215, %dma_start3A_216] : memref<20x128x32xf32, #tpu.memory_space<vmem>> -> memref<1x128x32xf32, #tpu.memory_space<vmem>>
      %dma_start3A_218 = tpu.memref_squeeze %dma_start3A_217 : memref<1x128x32xf32, #tpu.memory_space<vmem>> -> memref<128x32xf32, #tpu.memory_space<vmem>>
      %dma_start3A_219 = arith.constant 0 : i32
      %dma_start3A_220 = tpu.memref_slice %arg5[%dma_start3A_213, %dma_start3A_219] : memref<20x128xi32, #tpu.memory_space<vmem>> -> memref<1x128xi32, #tpu.memory_space<vmem>>
      %dma_start3A_221 = tpu.memref_squeeze %dma_start3A_220 : memref<1x128xi32, #tpu.memory_space<vmem>> -> memref<128xi32, #tpu.memory_space<vmem>>
      %dma_start3A_222 = arith.constant 0 : i32
      %dma_start3A_223 = arith.constant 0 : i32
      %dma_start3A_224 = tpu.memref_slice %arg3[%dma_start3A_222, %dma_start3A_223] : memref<1000000x32xf32, #tpu.memory_space<hbm>> -> memref<1000000x32xf32, #tpu.memory_space<hbm>>
      tpu.enqueue_indirect_dma source(%dma_start3A_224 : memref<1000000x32xf32, #tpu.memory_space<hbm>>) target(%dma_start3A_218 : memref<128x32xf32, #tpu.memory_space<vmem>>) offsets(%dma_start3A_221 : memref<128xi32, #tpu.memory_space<vmem>>) semaphore(%arg7 : memref<!tpu.dma_semaphore, #tpu.memory_space<semaphore_mem>>)
      %dma_start3A_225 = arith.constant 18 : i32
      %dma_start3A_226 = arith.constant 18 : i32
      %dma_start3A_227 = arith.constant 0 : i32
      %dma_start3A_228 = arith.constant 0 : i32
      %dma_start3A_229 = tpu.memref_slice %arg6[%dma_start3A_226, %dma_start3A_227, %dma_start3A_228] : memref<20x128x32xf32, #tpu.memory_space<vmem>> -> memref<1x128x32xf32, #tpu.memory_space<vmem>>
      %dma_start3A_230 = tpu.memref_squeeze %dma_start3A_229 : memref<1x128x32xf32, #tpu.memory_space<vmem>> -> memref<128x32xf32, #tpu.memory_space<vmem>>
      %dma_start3A_231 = arith.constant 0 : i32
      %dma_start3A_232 = tpu.memref_slice %arg5[%dma_start3A_225, %dma_start3A_231] : memref<20x128xi32, #tpu.memory_space<vmem>> -> memref<1x128xi32, #tpu.memory_space<vmem>>
      %dma_start3A_233 = tpu.memref_squeeze %dma_start3A_232 : memref<1x128xi32, #tpu.memory_space<vmem>> -> memref<128xi32, #tpu.memory_space<vmem>>
      %dma_start3A_234 = arith.constant 0 : i32
      %dma_start3A_235 = arith.constant 0 : i32
      %dma_start3A_236 = tpu.memref_slice %arg3[%dma_start3A_234, %dma_start3A_235] : memref<1000000x32xf32, #tpu.memory_space<hbm>> -> memref<1000000x32xf32, #tpu.memory_space<hbm>>
      tpu.enqueue_indirect_dma source(%dma_start3A_236 : memref<1000000x32xf32, #tpu.memory_space<hbm>>) target(%dma_start3A_230 : memref<128x32xf32, #tpu.memory_space<vmem>>) offsets(%dma_start3A_233 : memref<128xi32, #tpu.memory_space<vmem>>) semaphore(%arg7 : memref<!tpu.dma_semaphore, #tpu.memory_space<semaphore_mem>>)
      %dma_start3A_237 = arith.constant 19 : i32
      %dma_start3A_238 = arith.constant 19 : i32
      %dma_start3A_239 = arith.constant 0 : i32
      %dma_start3A_240 = arith.constant 0 : i32
      %dma_start3A_241 = tpu.memref_slice %arg6[%dma_start3A_238, %dma_start3A_239, %dma_start3A_240] : memref<20x128x32xf32, #tpu.memory_space<vmem>> -> memref<1x128x32xf32, #tpu.memory_space<vmem>>
      %dma_start3A_242 = tpu.memref_squeeze %dma_start3A_241 : memref<1x128x32xf32, #tpu.memory_space<vmem>> -> memref<128x32xf32, #tpu.memory_space<vmem>>
      %dma_start3A_243 = arith.constant 0 : i32
      %dma_start3A_244 = tpu.memref_slice %arg5[%dma_start3A_237, %dma_start3A_243] : memref<20x128xi32, #tpu.memory_space<vmem>> -> memref<1x128xi32, #tpu.memory_space<vmem>>
      %dma_start3A_245 = tpu.memref_squeeze %dma_start3A_244 : memref<1x128xi32, #tpu.memory_space<vmem>> -> memref<128xi32, #tpu.memory_space<vmem>>
      %dma_start3A_246 = arith.constant 0 : i32
      %dma_start3A_247 = arith.constant 0 : i32
      %dma_start3A_248 = tpu.memref_slice %arg3[%dma_start3A_246, %dma_start3A_247] : memref<1000000x32xf32, #tpu.memory_space<hbm>> -> memref<1000000x32xf32, #tpu.memory_space<hbm>>
      tpu.enqueue_indirect_dma source(%dma_start3A_248 : memref<1000000x32xf32, #tpu.memory_space<hbm>>) target(%dma_start3A_242 : memref<128x32xf32, #tpu.memory_space<vmem>>) offsets(%dma_start3A_245 : memref<128xi32, #tpu.memory_space<vmem>>) semaphore(%arg7 : memref<!tpu.dma_semaphore, #tpu.memory_space<semaphore_mem>>)
      %dma_wait3A = arith.constant 0 : i32
      %dma_wait3A_249 = arith.constant 0 : i32
      %dma_wait3A_250 = arith.constant 0 : i32
      %dma_wait3A_251 = arith.constant 0 : i32
      %dma_wait3A_252 = tpu.memref_slice %arg6[%dma_wait3A_249, %dma_wait3A_250, %dma_wait3A_251] : memref<20x128x32xf32, #tpu.memory_space<vmem>> -> memref<1x128x32xf32, #tpu.memory_space<vmem>>
      %dma_wait3A_253 = tpu.memref_squeeze %dma_wait3A_252 : memref<1x128x32xf32, #tpu.memory_space<vmem>> -> memref<128x32xf32, #tpu.memory_space<vmem>>
      %dma_wait3A_254 = arith.constant 0 : i32
      %dma_wait3A_255 = tpu.memref_slice %arg5[%dma_wait3A, %dma_wait3A_254] : memref<20x128xi32, #tpu.memory_space<vmem>> -> memref<1x128xi32, #tpu.memory_space<vmem>>
      %dma_wait3A_256 = tpu.memref_squeeze %dma_wait3A_255 : memref<1x128xi32, #tpu.memory_space<vmem>> -> memref<128xi32, #tpu.memory_space<vmem>>
      %dma_wait3A_257 = arith.constant 0 : i32
      %dma_wait3A_258 = arith.constant 0 : i32
      %dma_wait3A_259 = tpu.memref_slice %arg3[%dma_wait3A_257, %dma_wait3A_258] : memref<1000000x32xf32, #tpu.memory_space<hbm>> -> memref<1000000x32xf32, #tpu.memory_space<hbm>>
      tpu.wait_indirect_dma semaphore(%arg7 : memref<!tpu.dma_semaphore, #tpu.memory_space<semaphore_mem>>) src(%dma_wait3A_259 : memref<1000000x32xf32, #tpu.memory_space<hbm>>) dst(%dma_wait3A_253 : memref<128x32xf32, #tpu.memory_space<vmem>>)
      %dma_wait3A_260 = arith.constant 1 : i32
      %dma_wait3A_261 = arith.constant 1 : i32
      %dma_wait3A_262 = arith.constant 0 : i32
      %dma_wait3A_263 = arith.constant 0 : i32
      %dma_wait3A_264 = tpu.memref_slice %arg6[%dma_wait3A_261, %dma_wait3A_262, %dma_wait3A_263] : memref<20x128x32xf32, #tpu.memory_space<vmem>> -> memref<1x128x32xf32, #tpu.memory_space<vmem>>
      %dma_wait3A_265 = tpu.memref_squeeze %dma_wait3A_264 : memref<1x128x32xf32, #tpu.memory_space<vmem>> -> memref<128x32xf32, #tpu.memory_space<vmem>>
      %dma_wait3A_266 = arith.constant 0 : i32
      %dma_wait3A_267 = tpu.memref_slice %arg5[%dma_wait3A_260, %dma_wait3A_266] : memref<20x128xi32, #tpu.memory_space<vmem>> -> memref<1x128xi32, #tpu.memory_space<vmem>>
      %dma_wait3A_268 = tpu.memref_squeeze %dma_wait3A_267 : memref<1x128xi32, #tpu.memory_space<vmem>> -> memref<128xi32, #tpu.memory_space<vmem>>
      %dma_wait3A_269 = arith.constant 0 : i32
      %dma_wait3A_270 = arith.constant 0 : i32
      %dma_wait3A_271 = tpu.memref_slice %arg3[%dma_wait3A_269, %dma_wait3A_270] : memref<1000000x32xf32, #tpu.memory_space<hbm>> -> memref<1000000x32xf32, #tpu.memory_space<hbm>>
      tpu.wait_indirect_dma semaphore(%arg7 : memref<!tpu.dma_semaphore, #tpu.memory_space<semaphore_mem>>) src(%dma_wait3A_271 : memref<1000000x32xf32, #tpu.memory_space<hbm>>) dst(%dma_wait3A_265 : memref<128x32xf32, #tpu.memory_space<vmem>>)
      %dma_wait3A_272 = arith.constant 2 : i32
      %dma_wait3A_273 = arith.constant 2 : i32
      %dma_wait3A_274 = arith.constant 0 : i32
      %dma_wait3A_275 = arith.constant 0 : i32
      %dma_wait3A_276 = tpu.memref_slice %arg6[%dma_wait3A_273, %dma_wait3A_274, %dma_wait3A_275] : memref<20x128x32xf32, #tpu.memory_space<vmem>> -> memref<1x128x32xf32, #tpu.memory_space<vmem>>
      %dma_wait3A_277 = tpu.memref_squeeze %dma_wait3A_276 : memref<1x128x32xf32, #tpu.memory_space<vmem>> -> memref<128x32xf32, #tpu.memory_space<vmem>>
      %dma_wait3A_278 = arith.constant 0 : i32
      %dma_wait3A_279 = tpu.memref_slice %arg5[%dma_wait3A_272, %dma_wait3A_278] : memref<20x128xi32, #tpu.memory_space<vmem>> -> memref<1x128xi32, #tpu.memory_space<vmem>>
      %dma_wait3A_280 = tpu.memref_squeeze %dma_wait3A_279 : memref<1x128xi32, #tpu.memory_space<vmem>> -> memref<128xi32, #tpu.memory_space<vmem>>
      %dma_wait3A_281 = arith.constant 0 : i32
      %dma_wait3A_282 = arith.constant 0 : i32
      %dma_wait3A_283 = tpu.memref_slice %arg3[%dma_wait3A_281, %dma_wait3A_282] : memref<1000000x32xf32, #tpu.memory_space<hbm>> -> memref<1000000x32xf32, #tpu.memory_space<hbm>>
      tpu.wait_indirect_dma semaphore(%arg7 : memref<!tpu.dma_semaphore, #tpu.memory_space<semaphore_mem>>) src(%dma_wait3A_283 : memref<1000000x32xf32, #tpu.memory_space<hbm>>) dst(%dma_wait3A_277 : memref<128x32xf32, #tpu.memory_space<vmem>>)
      %dma_wait3A_284 = arith.constant 3 : i32
      %dma_wait3A_285 = arith.constant 3 : i32
      %dma_wait3A_286 = arith.constant 0 : i32
      %dma_wait3A_287 = arith.constant 0 : i32
      %dma_wait3A_288 = tpu.memref_slice %arg6[%dma_wait3A_285, %dma_wait3A_286, %dma_wait3A_287] : memref<20x128x32xf32, #tpu.memory_space<vmem>> -> memref<1x128x32xf32, #tpu.memory_space<vmem>>
      %dma_wait3A_289 = tpu.memref_squeeze %dma_wait3A_288 : memref<1x128x32xf32, #tpu.memory_space<vmem>> -> memref<128x32xf32, #tpu.memory_space<vmem>>
      %dma_wait3A_290 = arith.constant 0 : i32
      %dma_wait3A_291 = tpu.memref_slice %arg5[%dma_wait3A_284, %dma_wait3A_290] : memref<20x128xi32, #tpu.memory_space<vmem>> -> memref<1x128xi32, #tpu.memory_space<vmem>>
      %dma_wait3A_292 = tpu.memref_squeeze %dma_wait3A_291 : memref<1x128xi32, #tpu.memory_space<vmem>> -> memref<128xi32, #tpu.memory_space<vmem>>
      %dma_wait3A_293 = arith.constant 0 : i32
      %dma_wait3A_294 = arith.constant 0 : i32
      %dma_wait3A_295 = tpu.memref_slice %arg3[%dma_wait3A_293, %dma_wait3A_294] : memref<1000000x32xf32, #tpu.memory_space<hbm>> -> memref<1000000x32xf32, #tpu.memory_space<hbm>>
      tpu.wait_indirect_dma semaphore(%arg7 : memref<!tpu.dma_semaphore, #tpu.memory_space<semaphore_mem>>) src(%dma_wait3A_295 : memref<1000000x32xf32, #tpu.memory_space<hbm>>) dst(%dma_wait3A_289 : memref<128x32xf32, #tpu.memory_space<vmem>>)
      %dma_wait3A_296 = arith.constant 4 : i32
      %dma_wait3A_297 = arith.constant 4 : i32
      %dma_wait3A_298 = arith.constant 0 : i32
      %dma_wait3A_299 = arith.constant 0 : i32
      %dma_wait3A_300 = tpu.memref_slice %arg6[%dma_wait3A_297, %dma_wait3A_298, %dma_wait3A_299] : memref<20x128x32xf32, #tpu.memory_space<vmem>> -> memref<1x128x32xf32, #tpu.memory_space<vmem>>
      %dma_wait3A_301 = tpu.memref_squeeze %dma_wait3A_300 : memref<1x128x32xf32, #tpu.memory_space<vmem>> -> memref<128x32xf32, #tpu.memory_space<vmem>>
      %dma_wait3A_302 = arith.constant 0 : i32
      %dma_wait3A_303 = tpu.memref_slice %arg5[%dma_wait3A_296, %dma_wait3A_302] : memref<20x128xi32, #tpu.memory_space<vmem>> -> memref<1x128xi32, #tpu.memory_space<vmem>>
      %dma_wait3A_304 = tpu.memref_squeeze %dma_wait3A_303 : memref<1x128xi32, #tpu.memory_space<vmem>> -> memref<128xi32, #tpu.memory_space<vmem>>
      %dma_wait3A_305 = arith.constant 0 : i32
      %dma_wait3A_306 = arith.constant 0 : i32
      %dma_wait3A_307 = tpu.memref_slice %arg3[%dma_wait3A_305, %dma_wait3A_306] : memref<1000000x32xf32, #tpu.memory_space<hbm>> -> memref<1000000x32xf32, #tpu.memory_space<hbm>>
      tpu.wait_indirect_dma semaphore(%arg7 : memref<!tpu.dma_semaphore, #tpu.memory_space<semaphore_mem>>) src(%dma_wait3A_307 : memref<1000000x32xf32, #tpu.memory_space<hbm>>) dst(%dma_wait3A_301 : memref<128x32xf32, #tpu.memory_space<vmem>>)
      %dma_wait3A_308 = arith.constant 5 : i32
      %dma_wait3A_309 = arith.constant 5 : i32
      %dma_wait3A_310 = arith.constant 0 : i32
      %dma_wait3A_311 = arith.constant 0 : i32
      %dma_wait3A_312 = tpu.memref_slice %arg6[%dma_wait3A_309, %dma_wait3A_310, %dma_wait3A_311] : memref<20x128x32xf32, #tpu.memory_space<vmem>> -> memref<1x128x32xf32, #tpu.memory_space<vmem>>
      %dma_wait3A_313 = tpu.memref_squeeze %dma_wait3A_312 : memref<1x128x32xf32, #tpu.memory_space<vmem>> -> memref<128x32xf32, #tpu.memory_space<vmem>>
      %dma_wait3A_314 = arith.constant 0 : i32
      %dma_wait3A_315 = tpu.memref_slice %arg5[%dma_wait3A_308, %dma_wait3A_314] : memref<20x128xi32, #tpu.memory_space<vmem>> -> memref<1x128xi32, #tpu.memory_space<vmem>>
      %dma_wait3A_316 = tpu.memref_squeeze %dma_wait3A_315 : memref<1x128xi32, #tpu.memory_space<vmem>> -> memref<128xi32, #tpu.memory_space<vmem>>
      %dma_wait3A_317 = arith.constant 0 : i32
      %dma_wait3A_318 = arith.constant 0 : i32
      %dma_wait3A_319 = tpu.memref_slice %arg3[%dma_wait3A_317, %dma_wait3A_318] : memref<1000000x32xf32, #tpu.memory_space<hbm>> -> memref<1000000x32xf32, #tpu.memory_space<hbm>>
      tpu.wait_indirect_dma semaphore(%arg7 : memref<!tpu.dma_semaphore, #tpu.memory_space<semaphore_mem>>) src(%dma_wait3A_319 : memref<1000000x32xf32, #tpu.memory_space<hbm>>) dst(%dma_wait3A_313 : memref<128x32xf32, #tpu.memory_space<vmem>>)
      %dma_wait3A_320 = arith.constant 6 : i32
      %dma_wait3A_321 = arith.constant 6 : i32
      %dma_wait3A_322 = arith.constant 0 : i32
      %dma_wait3A_323 = arith.constant 0 : i32
      %dma_wait3A_324 = tpu.memref_slice %arg6[%dma_wait3A_321, %dma_wait3A_322, %dma_wait3A_323] : memref<20x128x32xf32, #tpu.memory_space<vmem>> -> memref<1x128x32xf32, #tpu.memory_space<vmem>>
      %dma_wait3A_325 = tpu.memref_squeeze %dma_wait3A_324 : memref<1x128x32xf32, #tpu.memory_space<vmem>> -> memref<128x32xf32, #tpu.memory_space<vmem>>
      %dma_wait3A_326 = arith.constant 0 : i32
      %dma_wait3A_327 = tpu.memref_slice %arg5[%dma_wait3A_320, %dma_wait3A_326] : memref<20x128xi32, #tpu.memory_space<vmem>> -> memref<1x128xi32, #tpu.memory_space<vmem>>
      %dma_wait3A_328 = tpu.memref_squeeze %dma_wait3A_327 : memref<1x128xi32, #tpu.memory_space<vmem>> -> memref<128xi32, #tpu.memory_space<vmem>>
      %dma_wait3A_329 = arith.constant 0 : i32
      %dma_wait3A_330 = arith.constant 0 : i32
      %dma_wait3A_331 = tpu.memref_slice %arg3[%dma_wait3A_329, %dma_wait3A_330] : memref<1000000x32xf32, #tpu.memory_space<hbm>> -> memref<1000000x32xf32, #tpu.memory_space<hbm>>
      tpu.wait_indirect_dma semaphore(%arg7 : memref<!tpu.dma_semaphore, #tpu.memory_space<semaphore_mem>>) src(%dma_wait3A_331 : memref<1000000x32xf32, #tpu.memory_space<hbm>>) dst(%dma_wait3A_325 : memref<128x32xf32, #tpu.memory_space<vmem>>)
      %dma_wait3A_332 = arith.constant 7 : i32
      %dma_wait3A_333 = arith.constant 7 : i32
      %dma_wait3A_334 = arith.constant 0 : i32
      %dma_wait3A_335 = arith.constant 0 : i32
      %dma_wait3A_336 = tpu.memref_slice %arg6[%dma_wait3A_333, %dma_wait3A_334, %dma_wait3A_335] : memref<20x128x32xf32, #tpu.memory_space<vmem>> -> memref<1x128x32xf32, #tpu.memory_space<vmem>>
      %dma_wait3A_337 = tpu.memref_squeeze %dma_wait3A_336 : memref<1x128x32xf32, #tpu.memory_space<vmem>> -> memref<128x32xf32, #tpu.memory_space<vmem>>
      %dma_wait3A_338 = arith.constant 0 : i32
      %dma_wait3A_339 = tpu.memref_slice %arg5[%dma_wait3A_332, %dma_wait3A_338] : memref<20x128xi32, #tpu.memory_space<vmem>> -> memref<1x128xi32, #tpu.memory_space<vmem>>
      %dma_wait3A_340 = tpu.memref_squeeze %dma_wait3A_339 : memref<1x128xi32, #tpu.memory_space<vmem>> -> memref<128xi32, #tpu.memory_space<vmem>>
      %dma_wait3A_341 = arith.constant 0 : i32
      %dma_wait3A_342 = arith.constant 0 : i32
      %dma_wait3A_343 = tpu.memref_slice %arg3[%dma_wait3A_341, %dma_wait3A_342] : memref<1000000x32xf32, #tpu.memory_space<hbm>> -> memref<1000000x32xf32, #tpu.memory_space<hbm>>
      tpu.wait_indirect_dma semaphore(%arg7 : memref<!tpu.dma_semaphore, #tpu.memory_space<semaphore_mem>>) src(%dma_wait3A_343 : memref<1000000x32xf32, #tpu.memory_space<hbm>>) dst(%dma_wait3A_337 : memref<128x32xf32, #tpu.memory_space<vmem>>)
      %dma_wait3A_344 = arith.constant 8 : i32
      %dma_wait3A_345 = arith.constant 8 : i32
      %dma_wait3A_346 = arith.constant 0 : i32
      %dma_wait3A_347 = arith.constant 0 : i32
      %dma_wait3A_348 = tpu.memref_slice %arg6[%dma_wait3A_345, %dma_wait3A_346, %dma_wait3A_347] : memref<20x128x32xf32, #tpu.memory_space<vmem>> -> memref<1x128x32xf32, #tpu.memory_space<vmem>>
      %dma_wait3A_349 = tpu.memref_squeeze %dma_wait3A_348 : memref<1x128x32xf32, #tpu.memory_space<vmem>> -> memref<128x32xf32, #tpu.memory_space<vmem>>
      %dma_wait3A_350 = arith.constant 0 : i32
      %dma_wait3A_351 = tpu.memref_slice %arg5[%dma_wait3A_344, %dma_wait3A_350] : memref<20x128xi32, #tpu.memory_space<vmem>> -> memref<1x128xi32, #tpu.memory_space<vmem>>
      %dma_wait3A_352 = tpu.memref_squeeze %dma_wait3A_351 : memref<1x128xi32, #tpu.memory_space<vmem>> -> memref<128xi32, #tpu.memory_space<vmem>>
      %dma_wait3A_353 = arith.constant 0 : i32
      %dma_wait3A_354 = arith.constant 0 : i32
      %dma_wait3A_355 = tpu.memref_slice %arg3[%dma_wait3A_353, %dma_wait3A_354] : memref<1000000x32xf32, #tpu.memory_space<hbm>> -> memref<1000000x32xf32, #tpu.memory_space<hbm>>
      tpu.wait_indirect_dma semaphore(%arg7 : memref<!tpu.dma_semaphore, #tpu.memory_space<semaphore_mem>>) src(%dma_wait3A_355 : memref<1000000x32xf32, #tpu.memory_space<hbm>>) dst(%dma_wait3A_349 : memref<128x32xf32, #tpu.memory_space<vmem>>)
      %dma_wait3A_356 = arith.constant 9 : i32
      %dma_wait3A_357 = arith.constant 9 : i32
      %dma_wait3A_358 = arith.constant 0 : i32
      %dma_wait3A_359 = arith.constant 0 : i32
      %dma_wait3A_360 = tpu.memref_slice %arg6[%dma_wait3A_357, %dma_wait3A_358, %dma_wait3A_359] : memref<20x128x32xf32, #tpu.memory_space<vmem>> -> memref<1x128x32xf32, #tpu.memory_space<vmem>>
      %dma_wait3A_361 = tpu.memref_squeeze %dma_wait3A_360 : memref<1x128x32xf32, #tpu.memory_space<vmem>> -> memref<128x32xf32, #tpu.memory_space<vmem>>
      %dma_wait3A_362 = arith.constant 0 : i32
      %dma_wait3A_363 = tpu.memref_slice %arg5[%dma_wait3A_356, %dma_wait3A_362] : memref<20x128xi32, #tpu.memory_space<vmem>> -> memref<1x128xi32, #tpu.memory_space<vmem>>
      %dma_wait3A_364 = tpu.memref_squeeze %dma_wait3A_363 : memref<1x128xi32, #tpu.memory_space<vmem>> -> memref<128xi32, #tpu.memory_space<vmem>>
      %dma_wait3A_365 = arith.constant 0 : i32
      %dma_wait3A_366 = arith.constant 0 : i32
      %dma_wait3A_367 = tpu.memref_slice %arg3[%dma_wait3A_365, %dma_wait3A_366] : memref<1000000x32xf32, #tpu.memory_space<hbm>> -> memref<1000000x32xf32, #tpu.memory_space<hbm>>
      tpu.wait_indirect_dma semaphore(%arg7 : memref<!tpu.dma_semaphore, #tpu.memory_space<semaphore_mem>>) src(%dma_wait3A_367 : memref<1000000x32xf32, #tpu.memory_space<hbm>>) dst(%dma_wait3A_361 : memref<128x32xf32, #tpu.memory_space<vmem>>)
      %dma_wait3A_368 = arith.constant 10 : i32
      %dma_wait3A_369 = arith.constant 10 : i32
      %dma_wait3A_370 = arith.constant 0 : i32
      %dma_wait3A_371 = arith.constant 0 : i32
      %dma_wait3A_372 = tpu.memref_slice %arg6[%dma_wait3A_369, %dma_wait3A_370, %dma_wait3A_371] : memref<20x128x32xf32, #tpu.memory_space<vmem>> -> memref<1x128x32xf32, #tpu.memory_space<vmem>>
      %dma_wait3A_373 = tpu.memref_squeeze %dma_wait3A_372 : memref<1x128x32xf32, #tpu.memory_space<vmem>> -> memref<128x32xf32, #tpu.memory_space<vmem>>
      %dma_wait3A_374 = arith.constant 0 : i32
      %dma_wait3A_375 = tpu.memref_slice %arg5[%dma_wait3A_368, %dma_wait3A_374] : memref<20x128xi32, #tpu.memory_space<vmem>> -> memref<1x128xi32, #tpu.memory_space<vmem>>
      %dma_wait3A_376 = tpu.memref_squeeze %dma_wait3A_375 : memref<1x128xi32, #tpu.memory_space<vmem>> -> memref<128xi32, #tpu.memory_space<vmem>>
      %dma_wait3A_377 = arith.constant 0 : i32
      %dma_wait3A_378 = arith.constant 0 : i32
      %dma_wait3A_379 = tpu.memref_slice %arg3[%dma_wait3A_377, %dma_wait3A_378] : memref<1000000x32xf32, #tpu.memory_space<hbm>> -> memref<1000000x32xf32, #tpu.memory_space<hbm>>
      tpu.wait_indirect_dma semaphore(%arg7 : memref<!tpu.dma_semaphore, #tpu.memory_space<semaphore_mem>>) src(%dma_wait3A_379 : memref<1000000x32xf32, #tpu.memory_space<hbm>>) dst(%dma_wait3A_373 : memref<128x32xf32, #tpu.memory_space<vmem>>)
      %dma_wait3A_380 = arith.constant 11 : i32
      %dma_wait3A_381 = arith.constant 11 : i32
      %dma_wait3A_382 = arith.constant 0 : i32
      %dma_wait3A_383 = arith.constant 0 : i32
      %dma_wait3A_384 = tpu.memref_slice %arg6[%dma_wait3A_381, %dma_wait3A_382, %dma_wait3A_383] : memref<20x128x32xf32, #tpu.memory_space<vmem>> -> memref<1x128x32xf32, #tpu.memory_space<vmem>>
      %dma_wait3A_385 = tpu.memref_squeeze %dma_wait3A_384 : memref<1x128x32xf32, #tpu.memory_space<vmem>> -> memref<128x32xf32, #tpu.memory_space<vmem>>
      %dma_wait3A_386 = arith.constant 0 : i32
      %dma_wait3A_387 = tpu.memref_slice %arg5[%dma_wait3A_380, %dma_wait3A_386] : memref<20x128xi32, #tpu.memory_space<vmem>> -> memref<1x128xi32, #tpu.memory_space<vmem>>
      %dma_wait3A_388 = tpu.memref_squeeze %dma_wait3A_387 : memref<1x128xi32, #tpu.memory_space<vmem>> -> memref<128xi32, #tpu.memory_space<vmem>>
      %dma_wait3A_389 = arith.constant 0 : i32
      %dma_wait3A_390 = arith.constant 0 : i32
      %dma_wait3A_391 = tpu.memref_slice %arg3[%dma_wait3A_389, %dma_wait3A_390] : memref<1000000x32xf32, #tpu.memory_space<hbm>> -> memref<1000000x32xf32, #tpu.memory_space<hbm>>
      tpu.wait_indirect_dma semaphore(%arg7 : memref<!tpu.dma_semaphore, #tpu.memory_space<semaphore_mem>>) src(%dma_wait3A_391 : memref<1000000x32xf32, #tpu.memory_space<hbm>>) dst(%dma_wait3A_385 : memref<128x32xf32, #tpu.memory_space<vmem>>)
      %dma_wait3A_392 = arith.constant 12 : i32
      %dma_wait3A_393 = arith.constant 12 : i32
      %dma_wait3A_394 = arith.constant 0 : i32
      %dma_wait3A_395 = arith.constant 0 : i32
      %dma_wait3A_396 = tpu.memref_slice %arg6[%dma_wait3A_393, %dma_wait3A_394, %dma_wait3A_395] : memref<20x128x32xf32, #tpu.memory_space<vmem>> -> memref<1x128x32xf32, #tpu.memory_space<vmem>>
      %dma_wait3A_397 = tpu.memref_squeeze %dma_wait3A_396 : memref<1x128x32xf32, #tpu.memory_space<vmem>> -> memref<128x32xf32, #tpu.memory_space<vmem>>
      %dma_wait3A_398 = arith.constant 0 : i32
      %dma_wait3A_399 = tpu.memref_slice %arg5[%dma_wait3A_392, %dma_wait3A_398] : memref<20x128xi32, #tpu.memory_space<vmem>> -> memref<1x128xi32, #tpu.memory_space<vmem>>
      %dma_wait3A_400 = tpu.memref_squeeze %dma_wait3A_399 : memref<1x128xi32, #tpu.memory_space<vmem>> -> memref<128xi32, #tpu.memory_space<vmem>>
      %dma_wait3A_401 = arith.constant 0 : i32
      %dma_wait3A_402 = arith.constant 0 : i32
      %dma_wait3A_403 = tpu.memref_slice %arg3[%dma_wait3A_401, %dma_wait3A_402] : memref<1000000x32xf32, #tpu.memory_space<hbm>> -> memref<1000000x32xf32, #tpu.memory_space<hbm>>
      tpu.wait_indirect_dma semaphore(%arg7 : memref<!tpu.dma_semaphore, #tpu.memory_space<semaphore_mem>>) src(%dma_wait3A_403 : memref<1000000x32xf32, #tpu.memory_space<hbm>>) dst(%dma_wait3A_397 : memref<128x32xf32, #tpu.memory_space<vmem>>)
      %dma_wait3A_404 = arith.constant 13 : i32
      %dma_wait3A_405 = arith.constant 13 : i32
      %dma_wait3A_406 = arith.constant 0 : i32
      %dma_wait3A_407 = arith.constant 0 : i32
      %dma_wait3A_408 = tpu.memref_slice %arg6[%dma_wait3A_405, %dma_wait3A_406, %dma_wait3A_407] : memref<20x128x32xf32, #tpu.memory_space<vmem>> -> memref<1x128x32xf32, #tpu.memory_space<vmem>>
      %dma_wait3A_409 = tpu.memref_squeeze %dma_wait3A_408 : memref<1x128x32xf32, #tpu.memory_space<vmem>> -> memref<128x32xf32, #tpu.memory_space<vmem>>
      %dma_wait3A_410 = arith.constant 0 : i32
      %dma_wait3A_411 = tpu.memref_slice %arg5[%dma_wait3A_404, %dma_wait3A_410] : memref<20x128xi32, #tpu.memory_space<vmem>> -> memref<1x128xi32, #tpu.memory_space<vmem>>
      %dma_wait3A_412 = tpu.memref_squeeze %dma_wait3A_411 : memref<1x128xi32, #tpu.memory_space<vmem>> -> memref<128xi32, #tpu.memory_space<vmem>>
      %dma_wait3A_413 = arith.constant 0 : i32
      %dma_wait3A_414 = arith.constant 0 : i32
      %dma_wait3A_415 = tpu.memref_slice %arg3[%dma_wait3A_413, %dma_wait3A_414] : memref<1000000x32xf32, #tpu.memory_space<hbm>> -> memref<1000000x32xf32, #tpu.memory_space<hbm>>
      tpu.wait_indirect_dma semaphore(%arg7 : memref<!tpu.dma_semaphore, #tpu.memory_space<semaphore_mem>>) src(%dma_wait3A_415 : memref<1000000x32xf32, #tpu.memory_space<hbm>>) dst(%dma_wait3A_409 : memref<128x32xf32, #tpu.memory_space<vmem>>)
      %dma_wait3A_416 = arith.constant 14 : i32
      %dma_wait3A_417 = arith.constant 14 : i32
      %dma_wait3A_418 = arith.constant 0 : i32
      %dma_wait3A_419 = arith.constant 0 : i32
      %dma_wait3A_420 = tpu.memref_slice %arg6[%dma_wait3A_417, %dma_wait3A_418, %dma_wait3A_419] : memref<20x128x32xf32, #tpu.memory_space<vmem>> -> memref<1x128x32xf32, #tpu.memory_space<vmem>>
      %dma_wait3A_421 = tpu.memref_squeeze %dma_wait3A_420 : memref<1x128x32xf32, #tpu.memory_space<vmem>> -> memref<128x32xf32, #tpu.memory_space<vmem>>
      %dma_wait3A_422 = arith.constant 0 : i32
      %dma_wait3A_423 = tpu.memref_slice %arg5[%dma_wait3A_416, %dma_wait3A_422] : memref<20x128xi32, #tpu.memory_space<vmem>> -> memref<1x128xi32, #tpu.memory_space<vmem>>
      %dma_wait3A_424 = tpu.memref_squeeze %dma_wait3A_423 : memref<1x128xi32, #tpu.memory_space<vmem>> -> memref<128xi32, #tpu.memory_space<vmem>>
      %dma_wait3A_425 = arith.constant 0 : i32
      %dma_wait3A_426 = arith.constant 0 : i32
      %dma_wait3A_427 = tpu.memref_slice %arg3[%dma_wait3A_425, %dma_wait3A_426] : memref<1000000x32xf32, #tpu.memory_space<hbm>> -> memref<1000000x32xf32, #tpu.memory_space<hbm>>
      tpu.wait_indirect_dma semaphore(%arg7 : memref<!tpu.dma_semaphore, #tpu.memory_space<semaphore_mem>>) src(%dma_wait3A_427 : memref<1000000x32xf32, #tpu.memory_space<hbm>>) dst(%dma_wait3A_421 : memref<128x32xf32, #tpu.memory_space<vmem>>)
      %dma_wait3A_428 = arith.constant 15 : i32
      %dma_wait3A_429 = arith.constant 15 : i32
      %dma_wait3A_430 = arith.constant 0 : i32
      %dma_wait3A_431 = arith.constant 0 : i32
      %dma_wait3A_432 = tpu.memref_slice %arg6[%dma_wait3A_429, %dma_wait3A_430, %dma_wait3A_431] : memref<20x128x32xf32, #tpu.memory_space<vmem>> -> memref<1x128x32xf32, #tpu.memory_space<vmem>>
      %dma_wait3A_433 = tpu.memref_squeeze %dma_wait3A_432 : memref<1x128x32xf32, #tpu.memory_space<vmem>> -> memref<128x32xf32, #tpu.memory_space<vmem>>
      %dma_wait3A_434 = arith.constant 0 : i32
      %dma_wait3A_435 = tpu.memref_slice %arg5[%dma_wait3A_428, %dma_wait3A_434] : memref<20x128xi32, #tpu.memory_space<vmem>> -> memref<1x128xi32, #tpu.memory_space<vmem>>
      %dma_wait3A_436 = tpu.memref_squeeze %dma_wait3A_435 : memref<1x128xi32, #tpu.memory_space<vmem>> -> memref<128xi32, #tpu.memory_space<vmem>>
      %dma_wait3A_437 = arith.constant 0 : i32
      %dma_wait3A_438 = arith.constant 0 : i32
      %dma_wait3A_439 = tpu.memref_slice %arg3[%dma_wait3A_437, %dma_wait3A_438] : memref<1000000x32xf32, #tpu.memory_space<hbm>> -> memref<1000000x32xf32, #tpu.memory_space<hbm>>
      tpu.wait_indirect_dma semaphore(%arg7 : memref<!tpu.dma_semaphore, #tpu.memory_space<semaphore_mem>>) src(%dma_wait3A_439 : memref<1000000x32xf32, #tpu.memory_space<hbm>>) dst(%dma_wait3A_433 : memref<128x32xf32, #tpu.memory_space<vmem>>)
      %dma_wait3A_440 = arith.constant 16 : i32
      %dma_wait3A_441 = arith.constant 16 : i32
      %dma_wait3A_442 = arith.constant 0 : i32
      %dma_wait3A_443 = arith.constant 0 : i32
      %dma_wait3A_444 = tpu.memref_slice %arg6[%dma_wait3A_441, %dma_wait3A_442, %dma_wait3A_443] : memref<20x128x32xf32, #tpu.memory_space<vmem>> -> memref<1x128x32xf32, #tpu.memory_space<vmem>>
      %dma_wait3A_445 = tpu.memref_squeeze %dma_wait3A_444 : memref<1x128x32xf32, #tpu.memory_space<vmem>> -> memref<128x32xf32, #tpu.memory_space<vmem>>
      %dma_wait3A_446 = arith.constant 0 : i32
      %dma_wait3A_447 = tpu.memref_slice %arg5[%dma_wait3A_440, %dma_wait3A_446] : memref<20x128xi32, #tpu.memory_space<vmem>> -> memref<1x128xi32, #tpu.memory_space<vmem>>
      %dma_wait3A_448 = tpu.memref_squeeze %dma_wait3A_447 : memref<1x128xi32, #tpu.memory_space<vmem>> -> memref<128xi32, #tpu.memory_space<vmem>>
      %dma_wait3A_449 = arith.constant 0 : i32
      %dma_wait3A_450 = arith.constant 0 : i32
      %dma_wait3A_451 = tpu.memref_slice %arg3[%dma_wait3A_449, %dma_wait3A_450] : memref<1000000x32xf32, #tpu.memory_space<hbm>> -> memref<1000000x32xf32, #tpu.memory_space<hbm>>
      tpu.wait_indirect_dma semaphore(%arg7 : memref<!tpu.dma_semaphore, #tpu.memory_space<semaphore_mem>>) src(%dma_wait3A_451 : memref<1000000x32xf32, #tpu.memory_space<hbm>>) dst(%dma_wait3A_445 : memref<128x32xf32, #tpu.memory_space<vmem>>)
      %dma_wait3A_452 = arith.constant 17 : i32
      %dma_wait3A_453 = arith.constant 17 : i32
      %dma_wait3A_454 = arith.constant 0 : i32
      %dma_wait3A_455 = arith.constant 0 : i32
      %dma_wait3A_456 = tpu.memref_slice %arg6[%dma_wait3A_453, %dma_wait3A_454, %dma_wait3A_455] : memref<20x128x32xf32, #tpu.memory_space<vmem>> -> memref<1x128x32xf32, #tpu.memory_space<vmem>>
      %dma_wait3A_457 = tpu.memref_squeeze %dma_wait3A_456 : memref<1x128x32xf32, #tpu.memory_space<vmem>> -> memref<128x32xf32, #tpu.memory_space<vmem>>
      %dma_wait3A_458 = arith.constant 0 : i32
      %dma_wait3A_459 = tpu.memref_slice %arg5[%dma_wait3A_452, %dma_wait3A_458] : memref<20x128xi32, #tpu.memory_space<vmem>> -> memref<1x128xi32, #tpu.memory_space<vmem>>
      %dma_wait3A_460 = tpu.memref_squeeze %dma_wait3A_459 : memref<1x128xi32, #tpu.memory_space<vmem>> -> memref<128xi32, #tpu.memory_space<vmem>>
      %dma_wait3A_461 = arith.constant 0 : i32
      %dma_wait3A_462 = arith.constant 0 : i32
      %dma_wait3A_463 = tpu.memref_slice %arg3[%dma_wait3A_461, %dma_wait3A_462] : memref<1000000x32xf32, #tpu.memory_space<hbm>> -> memref<1000000x32xf32, #tpu.memory_space<hbm>>
      tpu.wait_indirect_dma semaphore(%arg7 : memref<!tpu.dma_semaphore, #tpu.memory_space<semaphore_mem>>) src(%dma_wait3A_463 : memref<1000000x32xf32, #tpu.memory_space<hbm>>) dst(%dma_wait3A_457 : memref<128x32xf32, #tpu.memory_space<vmem>>)
      %dma_wait3A_464 = arith.constant 18 : i32
      %dma_wait3A_465 = arith.constant 18 : i32
      %dma_wait3A_466 = arith.constant 0 : i32
      %dma_wait3A_467 = arith.constant 0 : i32
      %dma_wait3A_468 = tpu.memref_slice %arg6[%dma_wait3A_465, %dma_wait3A_466, %dma_wait3A_467] : memref<20x128x32xf32, #tpu.memory_space<vmem>> -> memref<1x128x32xf32, #tpu.memory_space<vmem>>
      %dma_wait3A_469 = tpu.memref_squeeze %dma_wait3A_468 : memref<1x128x32xf32, #tpu.memory_space<vmem>> -> memref<128x32xf32, #tpu.memory_space<vmem>>
      %dma_wait3A_470 = arith.constant 0 : i32
      %dma_wait3A_471 = tpu.memref_slice %arg5[%dma_wait3A_464, %dma_wait3A_470] : memref<20x128xi32, #tpu.memory_space<vmem>> -> memref<1x128xi32, #tpu.memory_space<vmem>>
      %dma_wait3A_472 = tpu.memref_squeeze %dma_wait3A_471 : memref<1x128xi32, #tpu.memory_space<vmem>> -> memref<128xi32, #tpu.memory_space<vmem>>
      %dma_wait3A_473 = arith.constant 0 : i32
      %dma_wait3A_474 = arith.constant 0 : i32
      %dma_wait3A_475 = tpu.memref_slice %arg3[%dma_wait3A_473, %dma_wait3A_474] : memref<1000000x32xf32, #tpu.memory_space<hbm>> -> memref<1000000x32xf32, #tpu.memory_space<hbm>>
      tpu.wait_indirect_dma semaphore(%arg7 : memref<!tpu.dma_semaphore, #tpu.memory_space<semaphore_mem>>) src(%dma_wait3A_475 : memref<1000000x32xf32, #tpu.memory_space<hbm>>) dst(%dma_wait3A_469 : memref<128x32xf32, #tpu.memory_space<vmem>>)
      %dma_wait3A_476 = arith.constant 19 : i32
      %dma_wait3A_477 = arith.constant 19 : i32
      %dma_wait3A_478 = arith.constant 0 : i32
      %dma_wait3A_479 = arith.constant 0 : i32
      %dma_wait3A_480 = tpu.memref_slice %arg6[%dma_wait3A_477, %dma_wait3A_478, %dma_wait3A_479] : memref<20x128x32xf32, #tpu.memory_space<vmem>> -> memref<1x128x32xf32, #tpu.memory_space<vmem>>
      %dma_wait3A_481 = tpu.memref_squeeze %dma_wait3A_480 : memref<1x128x32xf32, #tpu.memory_space<vmem>> -> memref<128x32xf32, #tpu.memory_space<vmem>>
      %dma_wait3A_482 = arith.constant 0 : i32
      %dma_wait3A_483 = tpu.memref_slice %arg5[%dma_wait3A_476, %dma_wait3A_482] : memref<20x128xi32, #tpu.memory_space<vmem>> -> memref<1x128xi32, #tpu.memory_space<vmem>>
      %dma_wait3A_484 = tpu.memref_squeeze %dma_wait3A_483 : memref<1x128xi32, #tpu.memory_space<vmem>> -> memref<128xi32, #tpu.memory_space<vmem>>
      %dma_wait3A_485 = arith.constant 0 : i32
      %dma_wait3A_486 = arith.constant 0 : i32
      %dma_wait3A_487 = tpu.memref_slice %arg3[%dma_wait3A_485, %dma_wait3A_486] : memref<1000000x32xf32, #tpu.memory_space<hbm>> -> memref<1000000x32xf32, #tpu.memory_space<hbm>>
      tpu.wait_indirect_dma semaphore(%arg7 : memref<!tpu.dma_semaphore, #tpu.memory_space<semaphore_mem>>) src(%dma_wait3A_487 : memref<1000000x32xf32, #tpu.memory_space<hbm>>) dst(%dma_wait3A_481 : memref<128x32xf32, #tpu.memory_space<vmem>>)
      %mul3A_488 = arith.constant 20 : i32
      %mul3A_489 = arith.muli %add3A_9, %mul3A_488 : i32
      "tpu.region"() ({
        %run_scoped3A = tpu.sem_alloc : memref<!tpu.dma_semaphore, #tpu.memory_space<semaphore_mem>>
        %dma_start3A_490 = arith.constant 0 : i32
        %dma_start3A_491 = arith.constant 0 : i32
        %dma_start3A_492 = tpu.memref_slice %arg4[%mul3A_489, %dma_start3A_490, %dma_start3A_491] : memref<6400x128x32xf32, #tpu.memory_space<hbm>> -> memref<20x128x32xf32, #tpu.memory_space<hbm>>
        %dma_start3A_493 = arith.constant 0 : i32
        %dma_start3A_494 = arith.constant 0 : i32
        %dma_start3A_495 = tpu.memref_slice %arg4[%mul3A_489, %dma_start3A_493, %dma_start3A_494] : memref<6400x128x32xf32, #tpu.memory_space<hbm>> -> memref<20x128x32xf32, #tpu.memory_space<hbm>>
        tpu.enqueue_dma source(%arg6 : memref<20x128x32xf32, #tpu.memory_space<vmem>>) target(%dma_start3A_495 : memref<20x128x32xf32, #tpu.memory_space<hbm>>) target_semaphore(%run_scoped3A : memref<!tpu.dma_semaphore, #tpu.memory_space<semaphore_mem>>)
        %dma_wait3A_496 = arith.constant 0 : i32
        %dma_wait3A_497 = arith.constant 0 : i32
        %dma_wait3A_498 = tpu.memref_slice %arg4[%mul3A_489, %dma_wait3A_496, %dma_wait3A_497] : memref<6400x128x32xf32, #tpu.memory_space<hbm>> -> memref<20x128x32xf32, #tpu.memory_space<hbm>>
        %dma_wait3A_499 = arith.constant 0 : i32
        %dma_wait3A_500 = arith.constant 0 : i32
        %dma_wait3A_501 = tpu.memref_slice %arg4[%mul3A_489, %dma_wait3A_499, %dma_wait3A_500] : memref<6400x128x32xf32, #tpu.memory_space<hbm>> -> memref<20x128x32xf32, #tpu.memory_space<hbm>>
        tpu.wait_dma2 semaphore(%run_scoped3A : memref<!tpu.dma_semaphore, #tpu.memory_space<semaphore_mem>>) src(%arg6 : memref<20x128x32xf32, #tpu.memory_space<vmem>>) dst(%dma_wait3A_501 : memref<20x128x32xf32, #tpu.memory_space<hbm>>)
        tpu.yield
      }) : () -> ()
    }
    %scan3A_7 = arith.constant 10 : i32
    return
  }
}

module attributes {stable_mosaic.version = 14 : i64} {
  func.func @_mm_body(%arg0: i32, %arg1: i32, %arg2: memref<1x16384x32xf32, #tpu.memory_space<vmem>>, %arg3: memref<32x350xf32, #tpu.memory_space<vmem>>, %arg4: memref<350x1xf32, #tpu.memory_space<vmem>>, %arg5: memref<1x350x16384xf32, #tpu.memory_space<vmem>>) attributes {dimension_semantics = [#tpu.dimension_semantics<arbitrary>, #tpu.dimension_semantics<arbitrary>], iteration_bounds = array<i64: 50, 1>, scalar_prefetch = 0 : i64, scratch_operands = 0 : i64, tpu.core_type = #tpu.core_type<tc>, window_params = [{transform_indices = @transform_0, window_bounds = array<i64: 1, 16384, 32>}, {pipeline_mode = #tpu.pipeline_mode<synchronous>, transform_indices = @transform_1, window_bounds = array<i64: 32, 350>}, {pipeline_mode = #tpu.pipeline_mode<synchronous>, transform_indices = @transform_2, window_bounds = array<i64: 350, 1>}, {transform_indices = @transform_3, window_bounds = array<i64: 1, 350, 16384>}]} {
    %get3A = arith.constant 0 : index
    %get3A_0 = arith.constant 0 : index
    %get3A_1 = vector.load %arg3[%get3A, %get3A_0] : memref<32x350xf32, #tpu.memory_space<vmem>>, vector<32x350xf32>
    %get3A_2 = arith.constant 0 : index
    %get3A_3 = arith.constant 0 : index
    %get3A_4 = arith.constant 0 : index
    %get3A_5 = vector.load %arg2[%get3A_2, %get3A_3, %get3A_4] : memref<1x16384x32xf32, #tpu.memory_space<vmem>>, vector<1x16384x32xf32>
    %get3A_6 = vector.shape_cast %get3A_5 : vector<1x16384x32xf32> to vector<16384x32xf32>
    %dot_general3A = arith.constant dense<0.000000e+00> : vector<350x16384xf32>
    %dot_general3A_7 = tpu.matmul %get3A_1, %get3A_6, %dot_general3A {dimension_numbers = #tpu.dot_dimension_numbers<[0], [1], [1], [0], [0, 1, 1, 0], [], []>, transpose_lhs_hint = false} : vector<32x350xf32>, vector<16384x32xf32>, vector<350x16384xf32> -> vector<350x16384xf32>
    %get3A_8 = arith.constant 0 : index
    %get3A_9 = arith.constant 0 : index
    %get3A_10 = vector.load %arg4[%get3A_8, %get3A_9] : memref<350x1xf32, #tpu.memory_space<vmem>>, vector<350x1xf32>
    %add3A = vector.broadcast %get3A_10 : vector<350x1xf32> to vector<350x16384xf32>
    %add3A_11 = arith.addf %dot_general3A_7, %add3A : vector<350x16384xf32>
    %broadcast_in_dim3A = vector.shape_cast %add3A_11 : vector<350x16384xf32> to vector<1x350x16384xf32>
    %swap3A = arith.constant 0 : index
    %swap3A_12 = arith.constant 0 : index
    %swap3A_13 = arith.constant 0 : index
    %swap3A_14 = vector.load %arg5[%swap3A, %swap3A_12, %swap3A_13] : memref<1x350x16384xf32, #tpu.memory_space<vmem>>, vector<1x350x16384xf32>
    tpu.vector_store %arg5[%swap3A, %swap3A_12, %swap3A_13], %broadcast_in_dim3A {strides = array<i32>} : memref<1x350x16384xf32, #tpu.memory_space<vmem>>, vector<1x350x16384xf32>,
    return
  }
  func.func @transform_0(%arg0: i32, %arg1: i32) -> (i32, i32, i32) {
    %c0_i32 = arith.constant 0 : i32
    %c0_i32_0 = arith.constant 0 : i32
    return %arg0, %arg1, %c0_i32 : i32, i32, i32
  }
  func.func @transform_1(%arg0: i32, %arg1: i32) -> (i32, i32) {
    %c0_i32 = arith.constant 0 : i32
    %c0_i32_0 = arith.constant 0 : i32
    %c0_i32_1 = arith.constant 0 : i32
    return %c0_i32, %c0_i32_0 : i32, i32
  }
  func.func @transform_2(%arg0: i32, %arg1: i32) -> (i32, i32) {
    %c0_i32 = arith.constant 0 : i32
    %c0_i32_0 = arith.constant 0 : i32
    %c0_i32_1 = arith.constant 0 : i32
    return %c0_i32, %c0_i32_0 : i32, i32
  }
  func.func @transform_3(%arg0: i32, %arg1: i32) -> (i32, i32, i32) {
    %c0_i32 = arith.constant 0 : i32
    %c0_i32_0 = arith.constant 0 : i32
    return %arg0, %c0_i32, %arg1 : i32, i32, i32
  }
}

</mosaic_0001>

<sc_bundles>
// kernel: kernel.4.cloned.1.call-start
scs
__scs_entry_jumppad:
0x0: {  	(pc) =	sbr.rel $0x88, $3  }
0x1: {  	(tag) =	ssettag $0x0;
	lr =	simm.s32 $0x1  }
0x2: {  	[smem:$0x3F9D] =	sst lr;
	_ =	strace $0xD0000000  }
0x3: {  	_ = 	snop  }
0x4: {  	_ = 	snop  }
0x5: {  	_ = 	snop  }
0x6: {  	_ = 	snop  }
0x7: {  	_ = 	snop  }
__scs_overlays_trampoline_lowered:
0x8: {  	[smem:$0x3FAC] =	sst s0  }
0x9: {  	[smem:$0x3FAD] =	sst s1  }
0xa: {  	[smem:$0x3FAE] =	sst s2  }
0xb: {  	[smem:$0x3FAF] =	sst s3  }
0xc: {  	[smem:$0x3FB0] =	sst s4  }
0xd: {  	[smem:$0x3FB1] =	sst s5  }
0xe: {  	[smem:$0x3FB2] =	sst s6  }
0xf: {  	[smem:$0x3FB3] =	sst s7  }
0x10: {  	[smem:$0x3FB4] =	sst s8  }
0x11: {  	[smem:$0x3FB5] =	sst s9;
	s0 =	simm.s32 @!p0 $0x0  }
0x12: {  	s1 =	sld [smem:$0x3F9B];
	s0 =	simm.s32 @p0 $0x1  }
0x13: {  	[smem:$0x3FB6] =	sst s0;
	s0 =	simm.s32 @!p1 $0x0  }
0x14: {  	s2 =	sld [smem:$0x3F9A];
	s0 =	simm.s32 @p1 $0x1  }
0x15: {  	[smem:$0x3FB7] =	sst s0;
	s0 =	simm.s32 @!p2 $0x0  }
0x16: {  	s3 =	sld [smem:$0x3FDB];
	s0 =	simm.s32 @p2 $0x1  }
0x17: {  	s4 =	simm.s32 $0x1BF5;
	[smem:$0x3FB9] =	sst s0  }
0x18: {  	s0 =	sld [smem:$0x3F9C];
	_ =	swait.ge [sflag:s4], $0x0  }
0x19: {  	s7 =	sld [smem:$0x3F9D]  }
0x1a: {  	s8 =	sadd.s32 $0xFFFFE003, lr  }
0x1b: {  	s9 =	sadd.s32 $0xFFFFFEF7, lr;
	s5 =	simm.s32 $0xFFFFFFFF;
	p2 =	slt.u32 s8, $0xFFFFF086  }
0x1c: {  	p1 =	slt.u32 s9, $0xF7A;
	s5 =	simm.s32 @!p2 $0x0  }
0x1d: {  	s5 =	simm.s32 @p1 $0x1;
	p0 =	seq.s32 s7, s2  }
0x1e: {  	s7 =	smul.u32 @!p0 $0xF7A, s2;
	p2 =	seq.s32 @!p0 s5, $0x0  }
0x1f: {  	s9 =	smul.u32 $0xF7A, s1;
	s8 =	simm.s32 @!p0 $0x1BF5;
	p2 =	por !p2, p0  }
0x20: {  	[sflag:s8] =	ssyncset.s32 @!p0 $0xFFFFF086;
	s6 =	sadd.s32 @!p0 s3, s7;
	s7 =	simm.s32 @!p0 $0x108  }
0x21: {  	s3 =	sadd.s32 s3, s9;
	s6 =	sadd.s32 @!p0 $0x88, s6;
	s7 =	simm.s32 @p2 $0x1082  }
0x22: {  	[simem:s7], [sflag:s8] =	dma.local @!p0 [hbm:s6], $0xF7A  }
0x23: {  	s9 =	sor.u32 $0xD0000000, s2;
	s6 =	simm.s32 $0x108;
	_ =	swait.ge @!p0 [sflag:s8], $0x0  }
0x24: {  	s3 =	sadd.s32 $0x88, s3;
	s6 =	simm.s32 @!p1 $0x1082;
	[sflag:s4] =	ssyncset.s32 $0xFFFFF086  }
0x25: {  	[simem:s6], [sflag:s4] =	dma.local [hbm:s3], $0xF7A  }
0x26: {  	[smem:$0x3F9D] =	sst s1;
	(tag) =	ssettag s2;
	_ =	strace s9  }
0x27: {  	s1 =	sld [smem:$0x3FAD]  }
0x28: {  	s2 =	sld [smem:$0x3FAE]  }
0x29: {  	s4 =	sld [smem:$0x3FB0]  }
0x2a: {  	p0 =	seq.s32 s5, $0x0;
	s5 =	sld [smem:$0x3FB1]  }
0x2b: {  	s6 =	sld [smem:$0x3FB2]  }
0x2c: {  	s7 =	sld [smem:$0x3FB3]  }
0x2d: {  	s3 =	simm.s32 $0x108;
	s8 =	sld [smem:$0x3FB4]  }
0x2e: {  	s3 =	simm.s32 @!p0 $0x1082;
	s9 =	sld [smem:$0x3FB5]  }
0x2f: {  	lr =	sadd.s32 s0, s3;
	s0 =	sld [smem:$0x3FAC]  }
0x30: {  	s3 =	sld [smem:$0x3FAF]  }
0x31: {  	[smem:$0x3FB8] =	sst s10  }
0x32: {  	s10 =	sld [smem:$0x3FB6];
	_ =	sdelay $0x3  }
0x33: {  	p0 =	seq.s32 s10, $0x1;
	s10 =	sld [smem:$0x3FB8];
	_ =	sdelay $0x3  }
0x34: {  	[smem:$0x3FB8] =	sst s10  }
0x35: {  	s10 =	sld [smem:$0x3FB7];
	_ =	sdelay $0x3  }
0x36: {  	p1 =	seq.s32 s10, $0x1;
	s10 =	sld [smem:$0x3FB8];
	_ =	sdelay $0x3  }
0x37: {  	[smem:$0x3FB8] =	sst s10  }
0x38: {  	s10 =	sld [smem:$0x3FB9]  }
0x39: {  	_ = 	snop;
	(pc) =	sbr.ind lr, $3  }
0x3a: {  	_ = 	snop  }
0x3b: {  	_ = 	snop  }
0x3c: {  	p2 =	seq.s32 s10, $0x1;
	s10 =	sld [smem:$0x3FB8]  }
0x3d: {  	_ =	shalt  }
0x3e: {  	_ =	shalt  }
0x3f: {  	_ =	shalt  }
0x40: {  	_ =	shalt  }
0x41: {  	_ =	shalt  }
0x42: {  	_ =	shalt  }
0x43: {  	_ =	shalt  }
0x44: {  	_ =	shalt  }
0x45: {  	_ =	shalt  }
0x46: {  	_ =	shalt  }
0x47: {  	_ =	shalt  }
0x48: {  	_ =	shalt  }
0x49: {  	_ =	shalt  }
0x4a: {  	_ =	shalt  }
0x4b: {  	_ =	shalt  }
0x4c: {  	_ =	shalt  }
0x4d: {  	_ =	shalt  }
0x4e: {  	_ =	shalt  }
0x4f: {  	_ =	shalt  }
0x50: {  	_ =	shalt  }
0x51: {  	_ =	shalt  }
0x52: {  	_ =	shalt  }
0x53: {  	_ =	shalt  }
0x54: {  	_ =	shalt  }
0x55: {  	_ =	shalt  }
0x56: {  	_ =	shalt  }
0x57: {  	_ =	shalt  }
0x58: {  	_ =	shalt  }
0x59: {  	_ =	shalt  }
0x5a: {  	_ =	shalt  }
0x5b: {  	_ =	shalt  }
0x5c: {  	_ =	shalt  }
0x5d: {  	_ =	shalt  }
0x5e: {  	_ =	shalt  }
0x5f: {  	_ =	shalt  }
0x60: {  	_ =	shalt  }
0x61: {  	_ =	shalt  }
0x62: {  	_ =	shalt  }
0x63: {  	_ =	shalt  }
0x64: {  	_ =	shalt  }
0x65: {  	_ =	shalt  }
0x66: {  	_ =	shalt  }
0x67: {  	_ =	shalt  }
0x68: {  	_ =	shalt  }
0x69: {  	_ =	shalt  }
0x6a: {  	_ =	shalt  }
0x6b: {  	_ =	shalt  }
0x6c: {  	_ =	shalt  }
0x6d: {  	_ =	shalt  }
0x6e: {  	_ =	shalt  }
0x6f: {  	_ =	shalt  }
0x70: {  	_ =	shalt  }
0x71: {  	_ =	shalt  }
0x72: {  	_ =	shalt  }
0x73: {  	_ =	shalt  }
0x74: {  	_ =	shalt  }
0x75: {  	_ =	shalt  }
0x76: {  	_ =	shalt  }
0x77: {  	_ =	shalt  }
0x78: {  	_ =	shalt  }
0x79: {  	_ =	shalt  }
0x7a: {  	_ =	shalt  }
0x7b: {  	_ =	shalt  }
0x7c: {  	_ =	shalt  }
0x7d: {  	_ =	shalt  }
0x7e: {  	_ =	shalt  }
0x7f: {  	_ =	shalt  }
0x80: {  	_ =	shalt  }
0x81: {  	_ =	shalt  }
0x82: {  	_ =	shalt  }
0x83: {  	_ =	shalt  }
0x84: {  	_ =	shalt  }
0x85: {  	_ =	shalt  }
0x86: {  	_ =	shalt  }
0x87: {  	_ =	shalt  }
.Lfunc_end0:
.L_simem_size_0:
called_computation_lowered:
.L_overlay_start_0:
0x88: {  	s2 =	sld [smem:$0x3FD9]  }
0x89: {  	s3 =	sld [smem:$0x3FFE];
	_ =	sdelay $0x1  }
0x8a: {  	s1 =	srdreg.scid  }
0x8b: {  	s0 =	sand.u32 $0x1, s1  }
0x8c: {  	s17 =	sshll.u32 s0, $0xA;
	s2 =	sadd.s32 s3, s2  }
0x8d: {  	s2 =	sadd.s32 s2, s17  }
0x8e: {  	[smem:$0x3FC4] =	sst s2  }
0x8f: {  	_ = 	snop  }
0x90: {  	s2 =	sld [smem:$0x3FD0];
	(tm) =	ssettm $0x1  }
0x91: {  	s18 =	sld [smem:$0x3FFB];
	_ =	sdelay $0x3  }
0x92: {  	_ =	strace s18  }
0x93: {  	s3 =	sld [smem:$0x3FFC];
	_ =	sdelay $0x3  }
0x94: {  	_ =	strace s3  }
0x95: {  	s3 =	sld [smem:$0x3FFD];
	_ =	sdelay $0x3  }
0x96: {  	_ =	strace s3  }
0x97: {  	_ =	strace $0x8FFFFFFF  }
0x98: {  	s19 =	sld [smem:$0x3FDB];
	_ =	sdelay $0x1  }
0x99: {  	s4 =	simm.s32 $_scs_section_size  }
0x9a: {  	s5 =	simm.s32 $_size__tile_overlayer_lowered;
	s6 =	simm.s32 $_tile_overlayer_lowered  }
0x9b: {  	s22 =	simm.s32 $0x1BFF;
	s21 =	sshll.u32 s6, $0x1;
	s3 =	sadd.s32 s4, s19  }
0x9c: {  	s7 =	simm.s32 $0x0;
	s20 =	sshll.u32 s5, $0x1;
	s5 =	sadd.s32 s21, s3  }
0x9d: {  	[timem:s7], [sflag:s22] =	dma.local [hbm:s5], s20  }
0x9e: {  	_ =	swait.ge [sflag:s22], s20  }
0x9f: {  	s4 =	ssub.s32 $0x0, s20;
	[sflag:s22] =	ssyncset.done $0x0  }
0xa0: {  	[sflag:s22] =	ssyncadd.s32 s4;
	_ =	sdelay $0x1  }
0xa1: {  	s23 =	simm.s32 $0x1B8B  }
0xa2: {  	_ =	swait.ge [sflag:s23], $0x1  }
0xa3: {  	[sflag:s23] =	ssyncset.done $0x0  }
0xa4: {  	s25 =	simm.s32 $0x1B8E;
	s24 =	sld [smem:$0x3FFE];
	[sflag:s23] =	ssyncadd.s32 $0xFFFFFFFF  }
0xa5: {  	s26 =	simm.s32 $execute0_lowered;
	[smem:$0x3FD2] =	sst s25  }
0xa6: {  	s5 =	sshll.u32 s26, $0x1;
	_ =	strace $0x80000046;
	[dreg:$0x1] =	wrdreg $0xFFFFFFFF  }
0xa7: {  	s28 =	simm.s32 $_size_execute0_lowered;
	s3 =	sadd.s32 s3, s5;
	[dreg:$0x0] =	wrdreg $0x0  }
0xa8: {  	s5 =	sshll.u32 s28, $0x1;
	[dreg:$0x2] =	wrdreg s3  }
0xa9: {  	[dreg:$0x3] =	wrdreg s5  }
0xaa: {  	[dreg:$0x4] =	wrdreg $0xC0  }
0xab: {  	_ =	task [dreg:s7], $0x5FFFF  }
0xac: {  	[dreg:$0x1] =	wrdreg $0xFFFFFFFF  }
0xad: {  	[dreg:$0x0] =	wrdreg $0x60  }
0xae: {  	[dreg:$0x2] =	wrdreg s24  }
0xaf: {  	[dreg:$0x3] =	wrdreg s2  }
0xb0: {  	[dreg:$0x4] =	wrdreg $0x9  }
0xb1: {  	_ =	task.clear_ibuf [dreg:s7], $0x5FFFF;
	_ =	strace $0x90000046  }
0xb2: {  	s29 =	simm.s32 $0x9;
	_ =	strace $0x80000048  }
0xb3: {  	_ =	swait.ge [sflag:s29], $0x1  }
0xb4: {  	[sflag:s29] =	ssyncadd.s32 $0xFFFFFFFF  }
0xb5: {  	_ =	strace $0x90000048  }
0xb6: {  	_ =	sfence  }
0xb7: {  	s30 =	sld [smem:$0x0];
	_ =	sdelay $0x2  }
0xb8: {  	s31 =	sshll.u32 s1, $0xD;
	s1 =	sshrl.u32 s1, $0x2  }
0xb9: {  	s3 =	sand.u32 $0x4000, s31;
	s1 =	sadd.s32 s1, s30  }
0xba: {  	s0 =	sor.u32 s3, s0;
	s1 =	sshll.u32 s1, $0x11  }
0xbb: {  	s0 =	sor.u32 s1, s0  }
0xbc: {  	s0 =	sadd.s32 $0x8F2B, s0  }
0xbd: {  	[sflag:s0] =	ssyncadd.remote.s32 $0x1  }
0xbe: {  	_ =	sfence.sel $0xFFFF  }
0xbf: {  	[dreg:$0x0] =	wrdreg $0xFFFFFFFF;
	(pc) =	sbr.abs _section_cstart, $3  }
0xc0: {  	[dreg:$0x1] =	wrdreg $0xFFFFFFFF  }
0xc1: {  	_ =	task.clear_ibuf [dreg:s7], $0x2FFFF;
	_ =	strace $0x9FFFFFFF  }
0xc2: {  	(tm) =	ssettm $0x7FFFFFFF  }
0xc3: {  	_ =	shalt  }
tec
execute0_lowered:
.L_overlay_start_1:
0x0: {  	(tag) =	ssettag $0x1  }
0x1: {  	s1 =	rddreg [dreg:$0x0]  }
0x2: {  	s4 =	rddreg [dreg:$0x1];
	s2 =	simm.s32 $0x0  }
0x3: {  	s9 =	simm.s32 $0x1A00;
	[smem:$0x7FF] =	sst s2  }
0x4: {  	s10 =	simm.s32 $0x100;
	_ =	strace $0x80000047;
	[dreg:$0x4] =	wrdreg s9  }
0x5: {  	s11 =	simm.s32 $0x2A00;
	[dreg:$0x5] =	wrdreg s10  }
0x6: {  	s12 =	simm.s32 $0x180;
	[dreg:$0x6] =	wrdreg s11  }
0x7: {  	s7 =	stileid.u32;
	s13 =	simm.s32 $0x3A00;
	[dreg:$0x7] =	wrdreg s12  }
0x8: {  	s0 =	srdreg.scid;
	s14 =	simm.s32 $0x200;
	[dreg:$0x8] =	wrdreg s13  }
0x9: {  	s15 =	simm.s32 $0x4A00;
	s17 =	simm.s32 $0x280;
	[dreg:$0x9] =	wrdreg s14  }
0xa: {  	s18 =	simm.s32 $0x5A00;
	s19 =	simm.s32 $0x300;
	[dreg:$0xa] =	wrdreg s15  }
0xb: {  	s20 =	simm.s32 $0x6A00;
	s22 =	simm.s32 $0x380;
	[dreg:$0xb] =	wrdreg s17  }
0xc: {  	s23 =	simm.s32 $0x7A00;
	s24 =	simm.s32 $0x400;
	[dreg:$0xc] =	wrdreg s18  }
0xd: {  	s25 =	simm.s32 $0x8A00;
	s26 =	simm.s32 $0x480;
	[dreg:$0xd] =	wrdreg s19  }
0xe: {  	s31 =	simm.s32 $0x9A00;
	s8 =	simm.s32 $0xA00;
	[dreg:$0xe] =	wrdreg s20  }
0xf: {  	s28 =	simm.s32 $0x980;
	s29 =	simm.s32 $0x13A00;
	[dreg:$0xf] =	wrdreg s22  }
0x10: {  	s30 =	simm.s32 $0x1;
	s3 =	smul.u32 $0x1900, s7;
	[dreg:$0x10] =	wrdreg s23  }
0x11: {  	s0 =	sand.u32 $0x1, s0;
	s21 =	smul.u32 $0x32000, s7;
	[dreg:$0x11] =	wrdreg s24  }
0x12: {  	s7 =	simm.s32 $0x80;
	s5 =	smul.u32 $0xC80, s0;
	[dreg:$0x12] =	wrdreg s25  }
0x13: {  	s16 =	ssub.s32 $0x2, s0;
	s0 =	smul.u32 $0x19000, s0;
	[dreg:$0x13] =	wrdreg s26  }
0x14: {  	[dreg:$0x14] =	wrdreg s31;
	s9 =	simm.s32 $0x500;
	s10 =	simm.s32 $0xAA00  }
0x15: {  	s11 =	simm.s32 $0x580;
	s12 =	simm.s32 $0xBA00;
	s13 =	simm.s32 $0x600  }
0x16: {  	s14 =	simm.s32 $0xCA00;
	s15 =	simm.s32 $0x680;
	s17 =	simm.s32 $0x700  }
0x17: {  	s18 =	simm.s32 $0xEA00;
	s19 =	simm.s32 $0x780;
	s20 =	simm.s32 $0xFA00  }
0x18: {  	s22 =	simm.s32 $0x10A00;
	s23 =	simm.s32 $0x880;
	s24 =	simm.s32 $0x11A00  }
0x19: {  	s25 =	simm.s32 $0x900;
	s26 =	simm.s32 $0x12A00;
	s3 =	sadd.s32 s3, s1  }
0x1a: {  	s6 =	sshrl.u32 s16, $0x1;
	s4 =	sadd.s32 s21, s4;
	s21 =	simm.s32 $0x800  }
0x1b: {  	s3 =	sadd.s32 s5, s3;
	s5 =	ssub.s32 s16, s6;
	s0 =	sadd.s32 s0, s4  }
0x1c: {  	s6 =	simm.s32 $0x2;
	s3 =	sadd.s32 $0x600, s3;
	[dreg:$0x16] =	wrdreg s0  }
0x1d: {  	s16 =	simm.s32 $0xDA00;
	s5 =	smax.u32 s5, $0x1;
	[dreg:$0x3] =	wrdreg s3  }
0x1e: {  	s3 =	sadd.s32 $0x19600, s1;
	[dreg:$0x15] =	wrdreg s5;
	s1 =	simm.s32 $0x0  }
.LBB2_1:
0x1f: {  	s0 =	rddreg [dreg:$0x3]  }
0x20: {  	[dreg:$0x17] =	wrdreg s1;
	s0 =	sadd.s32 $0x0, s0  }
0x21: {  	[tilespmem:s2], [sflag:$0x2] =	stream.linear.gather [hbm4b:s0+s2], $0xA00, $0x38;
	[tilespmem:$0x14A00] =	vst v63  }
0x22: {  	_ =	swait.ge [sflag:s6], $0xA00  }
0x23: {  	s0 =	rddreg [dreg:$0x5]  }
0x24: {  	[sflag:s6] =	ssyncset.done $0x0;
	s31 =	rddreg [dreg:$0x4]  }
0x25: {  	s5 =	rddreg [dreg:$0x6];
	[sflag:s6] =	ssyncadd.s32 $0xFFFFF600  }
0x26: {  	[tilespmem:s8], [sflag:$0x1] =	stream.indirect.gather [hbm4b:s3+s7], $0x20, s2, s7, $0xb8;
	[tilespmem:$0x14A00] =	vst v63  }
0x27: {  	s4 =	rddreg [dreg:$0x8]  }
0x28: {  	[tilespmem:s31], [sflag:$0x1] =	stream.indirect.gather [hbm4b:s3+s7], $0x20, s7, s7, $0xb8;
	[tilespmem:$0x14A00] =	vst v63  }
0x29: {  	s31 =	rddreg [dreg:$0x7]  }
0x2a: {  	[tilespmem:s5], [sflag:$0x1] =	stream.indirect.gather [hbm4b:s3+s7], $0x20, s0, s7, $0xb8;
	[tilespmem:$0x14A00] =	vst v63  }
0x2b: {  	s0 =	rddreg [dreg:$0xa]  }
0x2c: {  	s5 =	rddreg [dreg:$0x9]  }
0x2d: {  	[tilespmem:s4], [sflag:$0x1] =	stream.indirect.gather [hbm4b:s3+s7], $0x20, s31, s7, $0xb8;
	[tilespmem:$0x14A00] =	vst v63  }
0x2e: {  	s4 =	rddreg [dreg:$0xc]  }
0x2f: {  	s31 =	rddreg [dreg:$0xb]  }
0x30: {  	[tilespmem:s0], [sflag:$0x1] =	stream.indirect.gather [hbm4b:s3+s7], $0x20, s5, s7, $0xb8;
	[tilespmem:$0x14A00] =	vst v63  }
0x31: {  	s0 =	rddreg [dreg:$0xe]  }
0x32: {  	s5 =	rddreg [dreg:$0xd]  }
0x33: {  	[tilespmem:s4], [sflag:$0x1] =	stream.indirect.gather [hbm4b:s3+s7], $0x20, s31, s7, $0xb8;
	[tilespmem:$0x14A00] =	vst v63  }
0x34: {  	s4 =	rddreg [dreg:$0x10]  }
0x35: {  	s31 =	rddreg [dreg:$0xf]  }
0x36: {  	[tilespmem:s0], [sflag:$0x1] =	stream.indirect.gather [hbm4b:s3+s7], $0x20, s5, s7, $0xb8;
	[tilespmem:$0x14A00] =	vst v63  }
0x37: {  	s0 =	rddreg [dreg:$0x12]  }
0x38: {  	s5 =	rddreg [dreg:$0x11]  }
0x39: {  	[tilespmem:s4], [sflag:$0x1] =	stream.indirect.gather [hbm4b:s3+s7], $0x20, s31, s7, $0xb8;
	[tilespmem:$0x14A00] =	vst v63  }
0x3a: {  	s4 =	rddreg [dreg:$0x14]  }
0x3b: {  	[tilespmem:s0], [sflag:$0x1] =	stream.indirect.gather [hbm4b:s3+s7], $0x20, s5, s7, $0xb8;
	[tilespmem:$0x14A00] =	vst v63  }
0x3c: {  	s31 =	rddreg [dreg:$0x13]  }
0x3d: {  	[tilespmem:s4], [sflag:$0x1] =	stream.indirect.gather [hbm4b:s3+s7], $0x20, s31, s7, $0xb8;
	[tilespmem:$0x14A00] =	vst v63  }
0x3e: {  	_ = 	snop  }
0x3f: {  	[tilespmem:s10], [sflag:$0x1] =	stream.indirect.gather [hbm4b:s3+s7], $0x20, s9, s7, $0xb8;
	[tilespmem:$0x14A00] =	vst v63  }
0x40: {  	_ = 	snop  }
0x41: {  	[tilespmem:s12], [sflag:$0x1] =	stream.indirect.gather [hbm4b:s3+s7], $0x20, s11, s7, $0xb8;
	[tilespmem:$0x14A00] =	vst v63  }
0x42: {  	_ = 	snop  }
0x43: {  	[tilespmem:s14], [sflag:$0x1] =	stream.indirect.gather [hbm4b:s3+s7], $0x20, s13, s7, $0xb8;
	[tilespmem:$0x14A00] =	vst v63  }
0x44: {  	_ = 	snop  }
0x45: {  	[tilespmem:s16], [sflag:$0x1] =	stream.indirect.gather [hbm4b:s3+s7], $0x20, s15, s7, $0xb8;
	[tilespmem:$0x14A00] =	vst v63  }
0x46: {  	_ = 	snop  }
0x47: {  	[tilespmem:s18], [sflag:$0x1] =	stream.indirect.gather [hbm4b:s3+s7], $0x20, s17, s7, $0xb8;
	[tilespmem:$0x14A00] =	vst v63  }
0x48: {  	_ = 	snop  }
0x49: {  	[tilespmem:s20], [sflag:$0x1] =	stream.indirect.gather [hbm4b:s3+s7], $0x20, s19, s7, $0xb8;
	[tilespmem:$0x14A00] =	vst v63  }
0x4a: {  	_ = 	snop  }
0x4b: {  	[tilespmem:s22], [sflag:$0x1] =	stream.indirect.gather [hbm4b:s3+s7], $0x20, s21, s7, $0xb8;
	[tilespmem:$0x14A00] =	vst v63  }
0x4c: {  	_ = 	snop  }
0x4d: {  	[tilespmem:s24], [sflag:$0x1] =	stream.indirect.gather [hbm4b:s3+s7], $0x20, s23, s7, $0xb8;
	[tilespmem:$0x14A00] =	vst v63  }
0x4e: {  	_ = 	snop  }
0x4f: {  	[tilespmem:s26], [sflag:$0x1] =	stream.indirect.gather [hbm4b:s3+s7], $0x20, s25, s7, $0xb8;
	[tilespmem:$0x14A00] =	vst v63  }
0x50: {  	_ = 	snop  }
0x51: {  	[tilespmem:s29], [sflag:$0x1] =	stream.indirect.gather [hbm4b:s3+s7], $0x20, s28, s7, $0xb8;
	[tilespmem:$0x14A00] =	vst v63  }
0x52: {  	_ =	swait.ge [sflag:s30], $0x1000  }
0x53: {  	[sflag:s30] =	ssyncset.done $0x0  }
0x54: {  	[sflag:s30] =	ssyncadd.s32 $0xFFFFF000  }
0x55: {  	_ =	swait.ge [sflag:s30], $0x1000  }
0x56: {  	[sflag:s30] =	ssyncset.done $0x0  }
0x57: {  	[sflag:s30] =	ssyncadd.s32 $0xFFFFF000  }
0x58: {  	_ =	swait.ge [sflag:s30], $0x1000  }
0x59: {  	[sflag:s30] =	ssyncset.done $0x0  }
0x5a: {  	[sflag:s30] =	ssyncadd.s32 $0xFFFFF000  }
0x5b: {  	_ =	swait.ge [sflag:s30], $0x1000  }
0x5c: {  	[sflag:s30] =	ssyncset.done $0x0  }
0x5d: {  	[sflag:s30] =	ssyncadd.s32 $0xFFFFF000  }
0x5e: {  	_ =	swait.ge [sflag:s30], $0x1000  }
0x5f: {  	[sflag:s30] =	ssyncset.done $0x0  }
0x60: {  	[sflag:s30] =	ssyncadd.s32 $0xFFFFF000  }
0x61: {  	_ =	swait.ge [sflag:s30], $0x1000  }
0x62: {  	[sflag:s30] =	ssyncset.done $0x0  }
0x63: {  	[sflag:s30] =	ssyncadd.s32 $0xFFFFF000  }
0x64: {  	_ =	swait.ge [sflag:s30], $0x1000  }
0x65: {  	[sflag:s30] =	ssyncset.done $0x0  }
0x66: {  	[sflag:s30] =	ssyncadd.s32 $0xFFFFF000  }
0x67: {  	_ =	swait.ge [sflag:s30], $0x1000  }
0x68: {  	[sflag:s30] =	ssyncset.done $0x0  }
0x69: {  	[sflag:s30] =	ssyncadd.s32 $0xFFFFF000  }
0x6a: {  	_ =	swait.ge [sflag:s30], $0x1000  }
0x6b: {  	[sflag:s30] =	ssyncset.done $0x0  }
0x6c: {  	[sflag:s30] =	ssyncadd.s32 $0xFFFFF000  }
0x6d: {  	_ =	swait.ge [sflag:s30], $0x1000  }
0x6e: {  	[sflag:s30] =	ssyncset.done $0x0  }
0x6f: {  	[sflag:s30] =	ssyncadd.s32 $0xFFFFF000  }
0x70: {  	_ =	swait.ge [sflag:s30], $0x1000  }
0x71: {  	[sflag:s30] =	ssyncset.done $0x0  }
0x72: {  	[sflag:s30] =	ssyncadd.s32 $0xFFFFF000  }
0x73: {  	_ =	swait.ge [sflag:s30], $0x1000  }
0x74: {  	[sflag:s30] =	ssyncset.done $0x0  }
0x75: {  	[sflag:s30] =	ssyncadd.s32 $0xFFFFF000  }
0x76: {  	_ =	swait.ge [sflag:s30], $0x1000  }
0x77: {  	[sflag:s30] =	ssyncset.done $0x0  }
0x78: {  	[sflag:s30] =	ssyncadd.s32 $0xFFFFF000  }
0x79: {  	_ =	swait.ge [sflag:s30], $0x1000  }
0x7a: {  	[sflag:s30] =	ssyncset.done $0x0  }
0x7b: {  	[sflag:s30] =	ssyncadd.s32 $0xFFFFF000  }
0x7c: {  	_ =	swait.ge [sflag:s30], $0x1000  }
0x7d: {  	[sflag:s30] =	ssyncset.done $0x0  }
0x7e: {  	[sflag:s30] =	ssyncadd.s32 $0xFFFFF000  }
0x7f: {  	_ =	swait.ge [sflag:s30], $0x1000  }
0x80: {  	[sflag:s30] =	ssyncset.done $0x0  }
0x81: {  	[sflag:s30] =	ssyncadd.s32 $0xFFFFF000  }
0x82: {  	_ =	swait.ge [sflag:s30], $0x1000  }
0x83: {  	[sflag:s30] =	ssyncset.done $0x0  }
0x84: {  	[sflag:s30] =	ssyncadd.s32 $0xFFFFF000  }
0x85: {  	_ =	swait.ge [sflag:s30], $0x1000  }
0x86: {  	[sflag:s30] =	ssyncset.done $0x0  }
0x87: {  	[sflag:s30] =	ssyncadd.s32 $0xFFFFF000  }
0x88: {  	_ =	swait.ge [sflag:s30], $0x1000  }
0x89: {  	s5 =	rddreg [dreg:$0x16]  }
0x8a: {  	s1 =	simm.s32 $0x140;
	[sflag:s30] =	ssyncset.done $0x0;
	s0 =	smov.u32 s5  }
.LBB2_2:
0x8b: {  	[sflag:s30] =	ssyncadd.s32 $0xFFFFF000  }
0x8c: {  	_ =	swait.ge [sflag:s30], $0x1000  }
0x8d: {  	[sflag:s30] =	ssyncset.done $0x0  }
0x8e: {  	[sflag:s30] =	ssyncadd.s32 $0xFFFFF000  }
0x8f: {  	[hbm4b:s5+s2] =	stream.linear.scatter [tilespmem:s8], [sflag:$0x2], $0x14000, $0x38;
	[tilespmem:$0x14A00] =	vst v63  }
0x90: {  	_ =	swait.ge [sflag:s6], $0x14000  }
0x91: {  	s4 =	smov.u32 s1;
	s31 =	rddreg [dreg:$0x3];
	[sflag:s6] =	ssyncset.done $0x0  }
0x92: {  	[sflag:s6] =	ssyncadd.s32 $0xFFFEC000;
	s4 =	sadd.s32 s4, s31  }
0x93: {  	[tilespmem:s2], [sflag:$0x2] =	stream.linear.gather [hbm4b:s4+s2], $0xA00, $0x38;
	[tilespmem:$0x14A00] =	vst v63  }
0x94: {  	_ =	swait.ge [sflag:s6], $0xA00  }
0x95: {  	s4 =	rddreg [dreg:$0x14]  }
0x96: {  	s31 =	rddreg [dreg:$0x12]  }
0x97: {  	s9 =	rddreg [dreg:$0x10]  }
0x98: {  	s10 =	rddreg [dreg:$0xe]  }
0x99: {  	s11 =	rddreg [dreg:$0xc]  }
0x9a: {  	s12 =	rddreg [dreg:$0xa]  }
0x9b: {  	[sflag:s6] =	ssyncset.done $0x0;
	s13 =	rddreg [dreg:$0x5]  }
0x9c: {  	s14 =	rddreg [dreg:$0x4];
	[sflag:s6] =	ssyncadd.s32 $0xFFFFF600  }
0x9d: {  	[tilespmem:s8], [sflag:$0x1] =	stream.indirect.gather [hbm4b:s3+s7], $0x20, s2, s7, $0xb8;
	[tilespmem:$0x14A00] =	vst v63  }
0x9e: {  	s15 =	rddreg [dreg:$0x6]  }
0x9f: {  	[tilespmem:s14], [sflag:$0x1] =	stream.indirect.gather [hbm4b:s3+s7], $0x20, s7, s7, $0xb8;
	[tilespmem:$0x14A00] =	vst v63  }
0xa0: {  	s16 =	rddreg [dreg:$0x8]  }
0xa1: {  	[tilespmem:s15], [sflag:$0x1] =	stream.indirect.gather [hbm4b:s3+s7], $0x20, s13, s7, $0xb8;
	[tilespmem:$0x14A00] =	vst v63  }
0xa2: {  	s14 =	rddreg [dreg:$0x7]  }
0xa3: {  	[tilespmem:s16], [sflag:$0x1] =	stream.indirect.gather [hbm4b:s3+s7], $0x20, s14, s7, $0xb8;
	[tilespmem:$0x14A00] =	vst v63  }
0xa4: {  	s13 =	rddreg [dreg:$0x9]  }
0xa5: {  	[tilespmem:s12], [sflag:$0x1] =	stream.indirect.gather [hbm4b:s3+s7], $0x20, s13, s7, $0xb8;
	[tilespmem:$0x14A00] =	vst v63  }
0xa6: {  	s14 =	rddreg [dreg:$0xb]  }
0xa7: {  	[tilespmem:s11], [sflag:$0x1] =	stream.indirect.gather [hbm4b:s3+s7], $0x20, s14, s7, $0xb8;
	[tilespmem:$0x14A00] =	vst v63  }
0xa8: {  	s12 =	rddreg [dreg:$0xd]  }
0xa9: {  	[tilespmem:s10], [sflag:$0x1] =	stream.indirect.gather [hbm4b:s3+s7], $0x20, s12, s7, $0xb8;
	[tilespmem:$0x14A00] =	vst v63  }
0xaa: {  	s11 =	rddreg [dreg:$0xf]  }
0xab: {  	[tilespmem:s9], [sflag:$0x1] =	stream.indirect.gather [hbm4b:s3+s7], $0x20, s11, s7, $0xb8;
	[tilespmem:$0x14A00] =	vst v63  }
0xac: {  	s10 =	rddreg [dreg:$0x11]  }
0xad: {  	[tilespmem:s31], [sflag:$0x1] =	stream.indirect.gather [hbm4b:s3+s7], $0x20, s10, s7, $0xb8;
	[tilespmem:$0x14A00] =	vst v63  }
0xae: {  	s9 =	rddreg [dreg:$0x13]  }
0xaf: {  	[tilespmem:s4], [sflag:$0x1] =	stream.indirect.gather [hbm4b:s3+s7], $0x20, s9, s7, $0xb8;
	[tilespmem:$0x14A00] =	vst v63  }
0xb0: {  	s10 =	simm.s32 $0xAA00;
	s9 =	simm.s32 $0x500  }
0xb1: {  	[tilespmem:s10], [sflag:$0x1] =	stream.indirect.gather [hbm4b:s3+s7], $0x20, s9, s7, $0xb8;
	[tilespmem:$0x14A00] =	vst v63  }
0xb2: {  	s12 =	simm.s32 $0xBA00;
	s11 =	simm.s32 $0x580  }
0xb3: {  	[tilespmem:s12], [sflag:$0x1] =	stream.indirect.gather [hbm4b:s3+s7], $0x20, s11, s7, $0xb8;
	[tilespmem:$0x14A00] =	vst v63  }
0xb4: {  	s13 =	simm.s32 $0x600;
	s14 =	simm.s32 $0xCA00  }
0xb5: {  	[tilespmem:s14], [sflag:$0x1] =	stream.indirect.gather [hbm4b:s3+s7], $0x20, s13, s7, $0xb8;
	[tilespmem:$0x14A00] =	vst v63  }
0xb6: {  	s15 =	simm.s32 $0x680;
	s16 =	simm.s32 $0xDA00  }
0xb7: {  	[tilespmem:s16], [sflag:$0x1] =	stream.indirect.gather [hbm4b:s3+s7], $0x20, s15, s7, $0xb8;
	[tilespmem:$0x14A00] =	vst v63  }
0xb8: {  	_ = 	snop  }
0xb9: {  	[tilespmem:s18], [sflag:$0x1] =	stream.indirect.gather [hbm4b:s3+s7], $0x20, s17, s7, $0xb8;
	[tilespmem:$0x14A00] =	vst v63  }
0xba: {  	_ = 	snop  }
0xbb: {  	[tilespmem:s20], [sflag:$0x1] =	stream.indirect.gather [hbm4b:s3+s7], $0x20, s19, s7, $0xb8;
	[tilespmem:$0x14A00] =	vst v63  }
0xbc: {  	_ = 	snop  }
0xbd: {  	[tilespmem:s22], [sflag:$0x1] =	stream.indirect.gather [hbm4b:s3+s7], $0x20, s21, s7, $0xb8;
	[tilespmem:$0x14A00] =	vst v63  }
0xbe: {  	_ = 	snop  }
0xbf: {  	[tilespmem:s24], [sflag:$0x1] =	stream.indirect.gather [hbm4b:s3+s7], $0x20, s23, s7, $0xb8;
	[tilespmem:$0x14A00] =	vst v63  }
0xc0: {  	_ = 	snop  }
0xc1: {  	[tilespmem:s26], [sflag:$0x1] =	stream.indirect.gather [hbm4b:s3+s7], $0x20, s25, s7, $0xb8;
	[tilespmem:$0x14A00] =	vst v63  }
0xc2: {  	_ = 	snop  }
0xc3: {  	[tilespmem:s29], [sflag:$0x1] =	stream.indirect.gather [hbm4b:s3+s7], $0x20, s28, s7, $0xb8;
	[tilespmem:$0x14A00] =	vst v63  }
0xc4: {  	_ =	swait.ge [sflag:s30], $0x1000  }
0xc5: {  	[sflag:s30] =	ssyncset.done $0x0  }
0xc6: {  	[sflag:s30] =	ssyncadd.s32 $0xFFFFF000  }
0xc7: {  	_ =	swait.ge [sflag:s30], $0x1000  }
0xc8: {  	[sflag:s30] =	ssyncset.done $0x0  }
0xc9: {  	[sflag:s30] =	ssyncadd.s32 $0xFFFFF000  }
0xca: {  	_ =	swait.ge [sflag:s30], $0x1000  }
0xcb: {  	[sflag:s30] =	ssyncset.done $0x0  }
0xcc: {  	[sflag:s30] =	ssyncadd.s32 $0xFFFFF000  }
0xcd: {  	_ =	swait.ge [sflag:s30], $0x1000  }
0xce: {  	[sflag:s30] =	ssyncset.done $0x0  }
0xcf: {  	[sflag:s30] =	ssyncadd.s32 $0xFFFFF000  }
0xd0: {  	_ =	swait.ge [sflag:s30], $0x1000  }
0xd1: {  	[sflag:s30] =	ssyncset.done $0x0  }
0xd2: {  	[sflag:s30] =	ssyncadd.s32 $0xFFFFF000  }
0xd3: {  	_ =	swait.ge [sflag:s30], $0x1000  }
0xd4: {  	[sflag:s30] =	ssyncset.done $0x0  }
0xd5: {  	[sflag:s30] =	ssyncadd.s32 $0xFFFFF000  }
0xd6: {  	_ =	swait.ge [sflag:s30], $0x1000  }
0xd7: {  	[sflag:s30] =	ssyncset.done $0x0  }
0xd8: {  	[sflag:s30] =	ssyncadd.s32 $0xFFFFF000  }
0xd9: {  	_ =	swait.ge [sflag:s30], $0x1000  }
0xda: {  	[sflag:s30] =	ssyncset.done $0x0  }
0xdb: {  	[sflag:s30] =	ssyncadd.s32 $0xFFFFF000  }
0xdc: {  	_ =	swait.ge [sflag:s30], $0x1000  }
0xdd: {  	[sflag:s30] =	ssyncset.done $0x0  }
0xde: {  	[sflag:s30] =	ssyncadd.s32 $0xFFFFF000  }
0xdf: {  	_ =	swait.ge [sflag:s30], $0x1000  }
0xe0: {  	[sflag:s30] =	ssyncset.done $0x0  }
0xe1: {  	[sflag:s30] =	ssyncadd.s32 $0xFFFFF000  }
0xe2: {  	_ =	swait.ge [sflag:s30], $0x1000  }
0xe3: {  	[sflag:s30] =	ssyncset.done $0x0  }
0xe4: {  	[sflag:s30] =	ssyncadd.s32 $0xFFFFF000  }
0xe5: {  	_ =	swait.ge [sflag:s30], $0x1000  }
0xe6: {  	[sflag:s30] =	ssyncset.done $0x0  }
0xe7: {  	[sflag:s30] =	ssyncadd.s32 $0xFFFFF000  }
0xe8: {  	_ =	swait.ge [sflag:s30], $0x1000  }
0xe9: {  	[sflag:s30] =	ssyncset.done $0x0  }
0xea: {  	[sflag:s30] =	ssyncadd.s32 $0xFFFFF000  }
0xeb: {  	_ =	swait.ge [sflag:s30], $0x1000  }
0xec: {  	[sflag:s30] =	ssyncset.done $0x0  }
0xed: {  	[sflag:s30] =	ssyncadd.s32 $0xFFFFF000  }
0xee: {  	_ =	swait.ge [sflag:s30], $0x1000  }
0xef: {  	[sflag:s30] =	ssyncset.done $0x0  }
0xf0: {  	[sflag:s30] =	ssyncadd.s32 $0xFFFFF000  }
0xf1: {  	_ =	swait.ge [sflag:s30], $0x1000  }
0xf2: {  	[sflag:s30] =	ssyncset.done $0x0  }
0xf3: {  	[sflag:s30] =	ssyncadd.s32 $0xFFFFF000  }
0xf4: {  	_ =	swait.ge [sflag:s30], $0x1000  }
0xf5: {  	[sflag:s30] =	ssyncset.done $0x0  }
0xf6: {  	p0 =	sne.s32 s1, $0xB40;
	[sflag:s30] =	ssyncadd.s32 $0xFFFFF000  }
.Ltmp0:
0xf7: {  	_ =	swait.ge [sflag:s30], $0x1000;
	(pc) =	sbr.rel @p0 .LBB2_2-.Ltmp0, $4  }
0xf8: {  	[sflag:s30] =	ssyncset.done $0x0  }
0xf9: {  	[sflag:s30] =	ssyncadd.s32 $0xFFFFF000  }
0xfa: {  	s0 =	sadd.s32 $0x2800, s0;
	_ =	swait.ge [sflag:s30], $0x1000  }
0xfb: {  	s1 =	sadd.s32 $0x140, s1;
	s5 =	smov.u32 s0;
	[sflag:s30] =	ssyncset.done $0x0  }
0xfc: {  	[sflag:s30] =	ssyncadd.s32 $0xFFFFF000  }
0xfd: {  	_ =	swait.ge [sflag:s30], $0x1000  }
0xfe: {  	[sflag:s30] =	ssyncset.done $0x0  }
0xff: {  	[sflag:s30] =	ssyncadd.s32 $0xFFFFF000  }
0x100: {  	[hbm4b:s5+s2] =	stream.linear.scatter [tilespmem:s8], [sflag:$0x2], $0x14000, $0x38;
	[tilespmem:$0x14A00] =	vst v63  }
0x101: {  	_ =	swait.ge [sflag:s6], $0x14000  }
0x102: {  	s1 =	rddreg [dreg:$0x17]  }
0x103: {  	s0 =	rddreg [dreg:$0x15];
	s1 =	sadd.s32 $0x1, s1  }
0x104: {  	p0 =	sne.s32 s1, s0  }
.Ltmp1:
0x105: {  	_ = 	snop;
	(pc) =	sbr.rel @p0 .LBB2_1-.Ltmp1, $3  }
0x106: {  	_ =	sdelay $0x1  }
0x107: {  	[sflag:s6] =	ssyncset.done $0x0  }
0x108: {  	[sflag:s6] =	ssyncadd.s32 $0xFFFEC000  }
0x109: {  	_ =	sfence.sel $0x180000  }
0x10a: {  	[bflag:$0x0] =	sbarrier.arrive $0xFFFF  }
0x10b: {  	_ =	strace $0x90000047  }
0x10c: {  	s0 =	stileid.u32;
	[bflag:$0x2] =	sbarrier.arrive $0xFFFF  }
0x10d: {  	p0 =	sne.s32 s0, $0x0;
	s0 =	rddreg [dreg:$0x2]  }
0x10e: {  	s0 =	sadd.s32 @!p0 $0x100000, s0  }
0x10f: {  	[sflag:s0] =	ssyncadd.tile.s32 @!p0 $0x1;
	_ =	shalt  }
.Lfunc_end2:
_tile_overlayer_lowered:
.L_overlay_start_2:
0x110: {  	(tag) =	ssettag $0x2  }
0x111: {  	s0 =	rddreg [dreg:$0x0];
	s2 =	stileid.u32  }
0x112: {  	s1 =	rddreg [dreg:$0x1];
	p0 =	sne.s32 s2, $0x0  }
0x113: {  	s3 =	rddreg [dreg:$0x2];
	[bflag:$0x3] =	sbarrier.arrive $0xFFFF;
	s2 =	simm.s32 @!p0 $0x1C02  }
0x114: {  	[timem:s3], [sflag:s2] =	dma.local @!p0 [hbm:s0], s1  }
0x115: {  	s0 =	simm.s32 @!p0 $0x2  }
0x116: {  	_ =	swait.ge @!p0 [sflag:s0], s1  }
0x117: {  	s1 =	ssub.s32 @!p0 $0x0, s1;
	[sflag:s0] =	ssyncset.done @!p0 $0x0  }
0x118: {  	[sflag:s0] =	ssyncadd.s32 @!p0 s1  }
0x119: {  	[bflag:$0x3] =	sbarrier.arrive $0xFFFF  }
0x11a: {  	_ =	shalt  }

</sc_bundles>
